<compile_context>
chip_gen: v7x
topology: tpu7x:2x2x1
jax: 0.10.2.dev20260603
libtpu: 0.0.44.dev20260713+nightly
codegen_flags: <defaults>
</compile_context>

<pallas_src>
import functools

import jax
import jax.numpy as jnp
from jax import lax
from jax.experimental import pallas as pl
from jax.experimental.pallas import tpu as pltpu
from jax.experimental.pallas import tpu_sc as plsc

N_NODES = 10000
D_FEAT = 256
N_EDGES = 160000

NC = 2
NS = 16
DH = D_FEAT // NC
E_PER_TILE = N_EDGES // NS
B = 80
NCHUNK = E_PER_TILE // B
NBUF = 4
LA = 2
NBUFI = 8
LAI = 6
ROWS_PER_TILE = 624
ROWS_TAIL = N_NODES - NS * ROWS_PER_TILE
ROWS_Z = 208


def _mp_body(x, ei_flat, zeros, out,
             acc, sidx, didx, rows, gsem, ssem, isem_s, isem_d):
    c = lax.axis_index("c")
    s = lax.axis_index("s")
    col0 = c * DH

    base_e = s * E_PER_TILE

    def start_idx(j):
        bi = lax.rem(j, NBUFI)
        st = base_e + j * B
        pltpu.async_copy(ei_flat.at[pl.ds(N_EDGES + st, B)], sidx.at[bi],
                         isem_s.at[bi])
        pltpu.async_copy(ei_flat.at[pl.ds(st, B)], didx.at[bi],
                         isem_d.at[bi])

    def wait_idx(j):
        bi = lax.rem(j, NBUFI)
        st = base_e + j * B
        pltpu.make_async_copy(ei_flat.at[pl.ds(N_EDGES + st, B)],
                              sidx.at[bi], isem_s.at[bi]).wait()
        pltpu.make_async_copy(ei_flat.at[pl.ds(st, B)], didx.at[bi],
                              isem_d.at[bi]).wait()

    def start_gather(j, b):
        bi = lax.rem(j, NBUFI)
        pltpu.async_copy(x.at[sidx.at[bi], pl.ds(col0, DH)], rows.at[b],
                         gsem.at[b])

    def wait_gather(j, b):
        bi = lax.rem(j, NBUFI)
        pltpu.make_async_copy(x.at[sidx.at[bi], pl.ds(col0, DH)],
                              rows.at[b], gsem.at[b]).wait()

    def start_scatter(j, b):
        bi = lax.rem(j, NBUFI)
        pltpu.async_copy(rows.at[b], acc.at[didx.at[bi]], ssem.at[b],
                         add=True)

    def wait_scatter(j, b):
        bi = lax.rem(j, NBUFI)
        pltpu.make_async_copy(rows.at[b], acc.at[didx.at[bi]],
                              ssem.at[b]).wait()

    for k in range(LAI):
        start_idx(k)
    for k in range(LA):
        wait_idx(k)
        start_gather(k, k)

    row0 = s * ROWS_PER_TILE
    for r in range(ROWS_PER_TILE // ROWS_Z):
        pltpu.sync_copy(zeros, acc.at[pl.ds(row0 + r * ROWS_Z, ROWS_Z)])

    @pl.when(s == 0)
    def _zero_tail():
        pltpu.sync_copy(zeros.at[pl.ds(0, ROWS_TAIL)],
                        acc.at[pl.ds(NS * ROWS_PER_TILE, ROWS_TAIL)])

    plsc.subcore_barrier()

    def chunk(j, carry):
        b = lax.rem(j, NBUF)
        wait_gather(j, b)
        start_scatter(j, b)

        @pl.when(j >= LA)
        def _drain():
            wait_scatter(j - LA, lax.rem(j - LA, NBUF))

        @pl.when(j + LAI < NCHUNK)
        def _pf_idx():
            start_idx(j + LAI)

        @pl.when(j + LA < NCHUNK)
        def _pf_gather():
            wait_idx(j + LA)
            start_gather(j + LA, lax.rem(j + LA, NBUF))

        return carry

    lax.fori_loop(0, NCHUNK, chunk, 0)

    for j in range(NCHUNK - LA, NCHUNK):
        wait_scatter(j, j % NBUF)

    plsc.subcore_barrier()
    pltpu.sync_copy(acc.at[pl.ds(row0, ROWS_PER_TILE)],
                    out.at[pl.ds(row0, ROWS_PER_TILE), pl.ds(col0, DH)])

    @pl.when(s == 0)
    def _out_tail():
        pltpu.sync_copy(
            acc.at[pl.ds(NS * ROWS_PER_TILE, ROWS_TAIL)],
            out.at[pl.ds(NS * ROWS_PER_TILE, ROWS_TAIL), pl.ds(col0, DH)])


_mp_call = functools.partial(
    pl.kernel,
    out_type=jax.ShapeDtypeStruct((N_NODES, D_FEAT), jnp.float32),
    mesh=plsc.VectorSubcoreMesh(core_axis_name="c", subcore_axis_name="s",
                                num_cores=NC, num_subcores=NS),
    scratch_types=[
        pltpu.VMEM_SHARED((N_NODES, DH), jnp.float32),
        pltpu.VMEM((NBUFI, B), jnp.int32),
        pltpu.VMEM((NBUFI, B), jnp.int32),
        pltpu.VMEM((NBUF, B, DH), jnp.float32),
        pltpu.SemaphoreType.DMA((NBUF,)),
        pltpu.SemaphoreType.DMA((NBUF,)),
        pltpu.SemaphoreType.DMA((NBUFI,)),
        pltpu.SemaphoreType.DMA((NBUFI,)),
    ],
)(_mp_body)


def kernel(x, edge_index):
    ei_flat = edge_index.astype(jnp.int32).reshape(2 * N_EDGES)
    zeros = jnp.zeros((ROWS_Z, DH), jnp.float32)
    return _mp_call(x, ei_flat, zeros)

# --- scband reference (transcript-rebuilt; emitter-appended) ---
"""Pipeline reference for scband-message-passing-26508538151348 (READ-ONLY COPY).

The authoritative reference and input builder live on the scoring server;
editing this copy changes nothing except your own understanding.
"""

import jax, jax.numpy as jnp
import numpy as np

N_NODES = 10000
N_EDGES = 160000
D_FEAT = 256

def setup_inputs(seed: int = 0) -> dict:
    key = jax.random.key(seed)
    k1, k2 = jax.random.split(key)
    x = jax.random.normal(k1, (N_NODES, D_FEAT), dtype=jnp.float32)
    edge_index = jax.random.randint(k2, (2, N_EDGES), 0, N_NODES, dtype=jnp.int64)
    return {"x": x, "edge_index": edge_index}

def reference(x, edge_index):
    # MessagePassing base class with aggr='add':
    # message(x_j) = x_j  (gather source-node features along edge_index[1])
    # scatter_('add', out, edge_index[0], dim_size=N) (scatter-add to dst nodes)
    # update(aggr_out) = aggr_out
    msgs = jnp.take(x, edge_index[1], axis=0)
    out = jax.ops.segment_sum(msgs, edge_index[0], num_segments=x.shape[0])
    return out

if __name__ == "__main__":
    import jax
    _d = setup_inputs()
    print(jax.jit(kernel)(*tuple(_d.values())))

</pallas_src>

<mosaic_0001>
#map = affine_map<(d0, d1) -> (0, 0)>
#map1 = affine_map<(d0, d1) -> (0)>
module attributes {stable_mosaic.version = 14 : i64} {
  func.func @_mp_body(%arg0: i32, %arg1: i32, %arg2: memref<10000x256xf32, #tpu.memory_space<hbm>>, %arg3: memref<320000xi32, #tpu.memory_space<hbm>>, %arg4: memref<208x128xf32, #tpu.memory_space<hbm>>, %arg5: memref<10000x256xf32, #tpu.memory_space<hbm>>, %arg6: memref<10000x128xf32, #tpu.memory_space<vmem_shared>>, %arg7: memref<8x80xi32, #tpu.memory_space<vmem>>, %arg8: memref<8x80xi32, #tpu.memory_space<vmem>>, %arg9: memref<4x80x128xf32, #tpu.memory_space<vmem>>, %arg10: memref<4x!tpu.dma_semaphore, #tpu.memory_space<semaphore_mem>>, %arg11: memref<4x!tpu.dma_semaphore, #tpu.memory_space<semaphore_mem>>, %arg12: memref<8x!tpu.dma_semaphore, #tpu.memory_space<semaphore_mem>>, %arg13: memref<8x!tpu.dma_semaphore, #tpu.memory_space<semaphore_mem>>) attributes {dimension_semantics = [#tpu.dimension_semantics<core_parallel>, #tpu.dimension_semantics<subcore_parallel>], iteration_bounds = array<i64: 2, 16>, scalar_prefetch = 0 : i64, scratch_operands = 8 : i64, tpu.core_type = #tpu.core_type<sc_vector_subcore>, window_params = [{transform_indices = #map}, {transform_indices = #map1}, {transform_indices = #map}, {transform_indices = #map}]} {
    %mul3A = arith.constant 128 : i32
    %mul3A_0 = arith.muli %arg0, %mul3A : i32
    %mul3A_1 = arith.constant 10000 : i32
    %mul3A_2 = arith.muli %arg1, %mul3A_1 : i32
    %rem3A = arith.constant 0 : i32
    %rem3A_3 = arith.constant 8 : i32
    %rem3A_4 = arith.remsi %rem3A, %rem3A_3 : i32
    %add3A = arith.constant 0 : i32
    %add3A_5 = arith.addi %mul3A_2, %add3A : i32
    %add3A_6 = arith.constant 160000 : i32
    %add3A_7 = arith.addi %add3A_6, %add3A_5 : i32
    %dma_start3A = arith.constant 0 : i32
    %dma_start3A_8 = tpu.memref_slice %arg7[%rem3A_4, %dma_start3A] : memref<8x80xi32, #tpu.memory_space<vmem>> -> memref<1x80xi32, #tpu.memory_space<vmem>>
    %dma_start3A_9 = tpu.memref_squeeze %dma_start3A_8 : memref<1x80xi32, #tpu.memory_space<vmem>> -> memref<80xi32, #tpu.memory_space<vmem>>
    %dma_start3A_10 = tpu.memref_slice %arg3[%add3A_7] : memref<320000xi32, #tpu.memory_space<hbm>> -> memref<80xi32, #tpu.memory_space<hbm>>
    %dma_start3A_11 = tpu.memref_slice %arg12[%rem3A_4] : memref<8x!tpu.dma_semaphore, #tpu.memory_space<semaphore_mem>> -> memref<1x!tpu.dma_semaphore, #tpu.memory_space<semaphore_mem>>
    %dma_start3A_12 = tpu.memref_squeeze %dma_start3A_11 : memref<1x!tpu.dma_semaphore, #tpu.memory_space<semaphore_mem>> -> memref<!tpu.dma_semaphore, #tpu.memory_space<semaphore_mem>>
    %dma_start3A_13 = arith.constant 0 : i32
    %dma_start3A_14 = tpu.memref_slice %arg7[%rem3A_4, %dma_start3A_13] : memref<8x80xi32, #tpu.memory_space<vmem>> -> memref<1x80xi32, #tpu.memory_space<vmem>>
    %dma_start3A_15 = tpu.memref_squeeze %dma_start3A_14 : memref<1x80xi32, #tpu.memory_space<vmem>> -> memref<80xi32, #tpu.memory_space<vmem>>
    %dma_start3A_16 = tpu.memref_slice %arg3[%add3A_7] : memref<320000xi32, #tpu.memory_space<hbm>> -> memref<80xi32, #tpu.memory_space<hbm>>
    tpu.enqueue_dma source(%dma_start3A_16 : memref<80xi32, #tpu.memory_space<hbm>>) target(%dma_start3A_15 : memref<80xi32, #tpu.memory_space<vmem>>) target_semaphore(%dma_start3A_12 : memref<!tpu.dma_semaphore, #tpu.memory_space<semaphore_mem>>)
    %dma_start3A_17 = arith.constant 0 : i32
    %dma_start3A_18 = tpu.memref_slice %arg8[%rem3A_4, %dma_start3A_17] : memref<8x80xi32, #tpu.memory_space<vmem>> -> memref<1x80xi32, #tpu.memory_space<vmem>>
    %dma_start3A_19 = tpu.memref_squeeze %dma_start3A_18 : memref<1x80xi32, #tpu.memory_space<vmem>> -> memref<80xi32, #tpu.memory_space<vmem>>
    %dma_start3A_20 = tpu.memref_slice %arg3[%add3A_5] : memref<320000xi32, #tpu.memory_space<hbm>> -> memref<80xi32, #tpu.memory_space<hbm>>
    %dma_start3A_21 = tpu.memref_slice %arg13[%rem3A_4] : memref<8x!tpu.dma_semaphore, #tpu.memory_space<semaphore_mem>> -> memref<1x!tpu.dma_semaphore, #tpu.memory_space<semaphore_mem>>
    %dma_start3A_22 = tpu.memref_squeeze %dma_start3A_21 : memref<1x!tpu.dma_semaphore, #tpu.memory_space<semaphore_mem>> -> memref<!tpu.dma_semaphore, #tpu.memory_space<semaphore_mem>>
    %dma_start3A_23 = arith.constant 0 : i32
    %dma_start3A_24 = tpu.memref_slice %arg8[%rem3A_4, %dma_start3A_23] : memref<8x80xi32, #tpu.memory_space<vmem>> -> memref<1x80xi32, #tpu.memory_space<vmem>>
    %dma_start3A_25 = tpu.memref_squeeze %dma_start3A_24 : memref<1x80xi32, #tpu.memory_space<vmem>> -> memref<80xi32, #tpu.memory_space<vmem>>
    %dma_start3A_26 = tpu.memref_slice %arg3[%add3A_5] : memref<320000xi32, #tpu.memory_space<hbm>> -> memref<80xi32, #tpu.memory_space<hbm>>
    tpu.enqueue_dma source(%dma_start3A_26 : memref<80xi32, #tpu.memory_space<hbm>>) target(%dma_start3A_25 : memref<80xi32, #tpu.memory_space<vmem>>) target_semaphore(%dma_start3A_22 : memref<!tpu.dma_semaphore, #tpu.memory_space<semaphore_mem>>)
    %rem3A_27 = arith.constant 1 : i32
    %rem3A_28 = arith.constant 8 : i32
    %rem3A_29 = arith.remsi %rem3A_27, %rem3A_28 : i32
    %add3A_30 = arith.constant 80 : i32
    %add3A_31 = arith.addi %mul3A_2, %add3A_30 : i32
    %add3A_32 = arith.constant 160000 : i32
    %add3A_33 = arith.addi %add3A_32, %add3A_31 : i32
    %dma_start3A_34 = arith.constant 0 : i32
    %dma_start3A_35 = tpu.memref_slice %arg7[%rem3A_29, %dma_start3A_34] : memref<8x80xi32, #tpu.memory_space<vmem>> -> memref<1x80xi32, #tpu.memory_space<vmem>>
    %dma_start3A_36 = tpu.memref_squeeze %dma_start3A_35 : memref<1x80xi32, #tpu.memory_space<vmem>> -> memref<80xi32, #tpu.memory_space<vmem>>
    %dma_start3A_37 = tpu.memref_slice %arg3[%add3A_33] : memref<320000xi32, #tpu.memory_space<hbm>> -> memref<80xi32, #tpu.memory_space<hbm>>
    %dma_start3A_38 = tpu.memref_slice %arg12[%rem3A_29] : memref<8x!tpu.dma_semaphore, #tpu.memory_space<semaphore_mem>> -> memref<1x!tpu.dma_semaphore, #tpu.memory_space<semaphore_mem>>
    %dma_start3A_39 = tpu.memref_squeeze %dma_start3A_38 : memref<1x!tpu.dma_semaphore, #tpu.memory_space<semaphore_mem>> -> memref<!tpu.dma_semaphore, #tpu.memory_space<semaphore_mem>>
    %dma_start3A_40 = arith.constant 0 : i32
    %dma_start3A_41 = tpu.memref_slice %arg7[%rem3A_29, %dma_start3A_40] : memref<8x80xi32, #tpu.memory_space<vmem>> -> memref<1x80xi32, #tpu.memory_space<vmem>>
    %dma_start3A_42 = tpu.memref_squeeze %dma_start3A_41 : memref<1x80xi32, #tpu.memory_space<vmem>> -> memref<80xi32, #tpu.memory_space<vmem>>
    %dma_start3A_43 = tpu.memref_slice %arg3[%add3A_33] : memref<320000xi32, #tpu.memory_space<hbm>> -> memref<80xi32, #tpu.memory_space<hbm>>
    tpu.enqueue_dma source(%dma_start3A_43 : memref<80xi32, #tpu.memory_space<hbm>>) target(%dma_start3A_42 : memref<80xi32, #tpu.memory_space<vmem>>) target_semaphore(%dma_start3A_39 : memref<!tpu.dma_semaphore, #tpu.memory_space<semaphore_mem>>)
    %dma_start3A_44 = arith.constant 0 : i32
    %dma_start3A_45 = tpu.memref_slice %arg8[%rem3A_29, %dma_start3A_44] : memref<8x80xi32, #tpu.memory_space<vmem>> -> memref<1x80xi32, #tpu.memory_space<vmem>>
    %dma_start3A_46 = tpu.memref_squeeze %dma_start3A_45 : memref<1x80xi32, #tpu.memory_space<vmem>> -> memref<80xi32, #tpu.memory_space<vmem>>
    %dma_start3A_47 = tpu.memref_slice %arg3[%add3A_31] : memref<320000xi32, #tpu.memory_space<hbm>> -> memref<80xi32, #tpu.memory_space<hbm>>
    %dma_start3A_48 = tpu.memref_slice %arg13[%rem3A_29] : memref<8x!tpu.dma_semaphore, #tpu.memory_space<semaphore_mem>> -> memref<1x!tpu.dma_semaphore, #tpu.memory_space<semaphore_mem>>
    %dma_start3A_49 = tpu.memref_squeeze %dma_start3A_48 : memref<1x!tpu.dma_semaphore, #tpu.memory_space<semaphore_mem>> -> memref<!tpu.dma_semaphore, #tpu.memory_space<semaphore_mem>>
    %dma_start3A_50 = arith.constant 0 : i32
    %dma_start3A_51 = tpu.memref_slice %arg8[%rem3A_29, %dma_start3A_50] : memref<8x80xi32, #tpu.memory_space<vmem>> -> memref<1x80xi32, #tpu.memory_space<vmem>>
    %dma_start3A_52 = tpu.memref_squeeze %dma_start3A_51 : memref<1x80xi32, #tpu.memory_space<vmem>> -> memref<80xi32, #tpu.memory_space<vmem>>
    %dma_start3A_53 = tpu.memref_slice %arg3[%add3A_31] : memref<320000xi32, #tpu.memory_space<hbm>> -> memref<80xi32, #tpu.memory_space<hbm>>
    tpu.enqueue_dma source(%dma_start3A_53 : memref<80xi32, #tpu.memory_space<hbm>>) target(%dma_start3A_52 : memref<80xi32, #tpu.memory_space<vmem>>) target_semaphore(%dma_start3A_49 : memref<!tpu.dma_semaphore, #tpu.memory_space<semaphore_mem>>)
    %rem3A_54 = arith.constant 2 : i32
    %rem3A_55 = arith.constant 8 : i32
    %rem3A_56 = arith.remsi %rem3A_54, %rem3A_55 : i32
    %add3A_57 = arith.constant 160 : i32
    %add3A_58 = arith.addi %mul3A_2, %add3A_57 : i32
    %add3A_59 = arith.constant 160000 : i32
    %add3A_60 = arith.addi %add3A_59, %add3A_58 : i32
    %dma_start3A_61 = arith.constant 0 : i32
    %dma_start3A_62 = tpu.memref_slice %arg7[%rem3A_56, %dma_start3A_61] : memref<8x80xi32, #tpu.memory_space<vmem>> -> memref<1x80xi32, #tpu.memory_space<vmem>>
    %dma_start3A_63 = tpu.memref_squeeze %dma_start3A_62 : memref<1x80xi32, #tpu.memory_space<vmem>> -> memref<80xi32, #tpu.memory_space<vmem>>
    %dma_start3A_64 = tpu.memref_slice %arg3[%add3A_60] : memref<320000xi32, #tpu.memory_space<hbm>> -> memref<80xi32, #tpu.memory_space<hbm>>
    %dma_start3A_65 = tpu.memref_slice %arg12[%rem3A_56] : memref<8x!tpu.dma_semaphore, #tpu.memory_space<semaphore_mem>> -> memref<1x!tpu.dma_semaphore, #tpu.memory_space<semaphore_mem>>
    %dma_start3A_66 = tpu.memref_squeeze %dma_start3A_65 : memref<1x!tpu.dma_semaphore, #tpu.memory_space<semaphore_mem>> -> memref<!tpu.dma_semaphore, #tpu.memory_space<semaphore_mem>>
    %dma_start3A_67 = arith.constant 0 : i32
    %dma_start3A_68 = tpu.memref_slice %arg7[%rem3A_56, %dma_start3A_67] : memref<8x80xi32, #tpu.memory_space<vmem>> -> memref<1x80xi32, #tpu.memory_space<vmem>>
    %dma_start3A_69 = tpu.memref_squeeze %dma_start3A_68 : memref<1x80xi32, #tpu.memory_space<vmem>> -> memref<80xi32, #tpu.memory_space<vmem>>
    %dma_start3A_70 = tpu.memref_slice %arg3[%add3A_60] : memref<320000xi32, #tpu.memory_space<hbm>> -> memref<80xi32, #tpu.memory_space<hbm>>
    tpu.enqueue_dma source(%dma_start3A_70 : memref<80xi32, #tpu.memory_space<hbm>>) target(%dma_start3A_69 : memref<80xi32, #tpu.memory_space<vmem>>) target_semaphore(%dma_start3A_66 : memref<!tpu.dma_semaphore, #tpu.memory_space<semaphore_mem>>)
    %dma_start3A_71 = arith.constant 0 : i32
    %dma_start3A_72 = tpu.memref_slice %arg8[%rem3A_56, %dma_start3A_71] : memref<8x80xi32, #tpu.memory_space<vmem>> -> memref<1x80xi32, #tpu.memory_space<vmem>>
    %dma_start3A_73 = tpu.memref_squeeze %dma_start3A_72 : memref<1x80xi32, #tpu.memory_space<vmem>> -> memref<80xi32, #tpu.memory_space<vmem>>
    %dma_start3A_74 = tpu.memref_slice %arg3[%add3A_58] : memref<320000xi32, #tpu.memory_space<hbm>> -> memref<80xi32, #tpu.memory_space<hbm>>
    %dma_start3A_75 = tpu.memref_slice %arg13[%rem3A_56] : memref<8x!tpu.dma_semaphore, #tpu.memory_space<semaphore_mem>> -> memref<1x!tpu.dma_semaphore, #tpu.memory_space<semaphore_mem>>
    %dma_start3A_76 = tpu.memref_squeeze %dma_start3A_75 : memref<1x!tpu.dma_semaphore, #tpu.memory_space<semaphore_mem>> -> memref<!tpu.dma_semaphore, #tpu.memory_space<semaphore_mem>>
    %dma_start3A_77 = arith.constant 0 : i32
    %dma_start3A_78 = tpu.memref_slice %arg8[%rem3A_56, %dma_start3A_77] : memref<8x80xi32, #tpu.memory_space<vmem>> -> memref<1x80xi32, #tpu.memory_space<vmem>>
    %dma_start3A_79 = tpu.memref_squeeze %dma_start3A_78 : memref<1x80xi32, #tpu.memory_space<vmem>> -> memref<80xi32, #tpu.memory_space<vmem>>
    %dma_start3A_80 = tpu.memref_slice %arg3[%add3A_58] : memref<320000xi32, #tpu.memory_space<hbm>> -> memref<80xi32, #tpu.memory_space<hbm>>
    tpu.enqueue_dma source(%dma_start3A_80 : memref<80xi32, #tpu.memory_space<hbm>>) target(%dma_start3A_79 : memref<80xi32, #tpu.memory_space<vmem>>) target_semaphore(%dma_start3A_76 : memref<!tpu.dma_semaphore, #tpu.memory_space<semaphore_mem>>)
    %rem3A_81 = arith.constant 3 : i32
    %rem3A_82 = arith.constant 8 : i32
    %rem3A_83 = arith.remsi %rem3A_81, %rem3A_82 : i32
    %add3A_84 = arith.constant 240 : i32
    %add3A_85 = arith.addi %mul3A_2, %add3A_84 : i32
    %add3A_86 = arith.constant 160000 : i32
    %add3A_87 = arith.addi %add3A_86, %add3A_85 : i32
    %dma_start3A_88 = arith.constant 0 : i32
    %dma_start3A_89 = tpu.memref_slice %arg7[%rem3A_83, %dma_start3A_88] : memref<8x80xi32, #tpu.memory_space<vmem>> -> memref<1x80xi32, #tpu.memory_space<vmem>>
    %dma_start3A_90 = tpu.memref_squeeze %dma_start3A_89 : memref<1x80xi32, #tpu.memory_space<vmem>> -> memref<80xi32, #tpu.memory_space<vmem>>
    %dma_start3A_91 = tpu.memref_slice %arg3[%add3A_87] : memref<320000xi32, #tpu.memory_space<hbm>> -> memref<80xi32, #tpu.memory_space<hbm>>
    %dma_start3A_92 = tpu.memref_slice %arg12[%rem3A_83] : memref<8x!tpu.dma_semaphore, #tpu.memory_space<semaphore_mem>> -> memref<1x!tpu.dma_semaphore, #tpu.memory_space<semaphore_mem>>
    %dma_start3A_93 = tpu.memref_squeeze %dma_start3A_92 : memref<1x!tpu.dma_semaphore, #tpu.memory_space<semaphore_mem>> -> memref<!tpu.dma_semaphore, #tpu.memory_space<semaphore_mem>>
    %dma_start3A_94 = arith.constant 0 : i32
    %dma_start3A_95 = tpu.memref_slice %arg7[%rem3A_83, %dma_start3A_94] : memref<8x80xi32, #tpu.memory_space<vmem>> -> memref<1x80xi32, #tpu.memory_space<vmem>>
    %dma_start3A_96 = tpu.memref_squeeze %dma_start3A_95 : memref<1x80xi32, #tpu.memory_space<vmem>> -> memref<80xi32, #tpu.memory_space<vmem>>
    %dma_start3A_97 = tpu.memref_slice %arg3[%add3A_87] : memref<320000xi32, #tpu.memory_space<hbm>> -> memref<80xi32, #tpu.memory_space<hbm>>
    tpu.enqueue_dma source(%dma_start3A_97 : memref<80xi32, #tpu.memory_space<hbm>>) target(%dma_start3A_96 : memref<80xi32, #tpu.memory_space<vmem>>) target_semaphore(%dma_start3A_93 : memref<!tpu.dma_semaphore, #tpu.memory_space<semaphore_mem>>)
    %dma_start3A_98 = arith.constant 0 : i32
    %dma_start3A_99 = tpu.memref_slice %arg8[%rem3A_83, %dma_start3A_98] : memref<8x80xi32, #tpu.memory_space<vmem>> -> memref<1x80xi32, #tpu.memory_space<vmem>>
    %dma_start3A_100 = tpu.memref_squeeze %dma_start3A_99 : memref<1x80xi32, #tpu.memory_space<vmem>> -> memref<80xi32, #tpu.memory_space<vmem>>
    %dma_start3A_101 = tpu.memref_slice %arg3[%add3A_85] : memref<320000xi32, #tpu.memory_space<hbm>> -> memref<80xi32, #tpu.memory_space<hbm>>
    %dma_start3A_102 = tpu.memref_slice %arg13[%rem3A_83] : memref<8x!tpu.dma_semaphore, #tpu.memory_space<semaphore_mem>> -> memref<1x!tpu.dma_semaphore, #tpu.memory_space<semaphore_mem>>
    %dma_start3A_103 = tpu.memref_squeeze %dma_start3A_102 : memref<1x!tpu.dma_semaphore, #tpu.memory_space<semaphore_mem>> -> memref<!tpu.dma_semaphore, #tpu.memory_space<semaphore_mem>>
    %dma_start3A_104 = arith.constant 0 : i32
    %dma_start3A_105 = tpu.memref_slice %arg8[%rem3A_83, %dma_start3A_104] : memref<8x80xi32, #tpu.memory_space<vmem>> -> memref<1x80xi32, #tpu.memory_space<vmem>>
    %dma_start3A_106 = tpu.memref_squeeze %dma_start3A_105 : memref<1x80xi32, #tpu.memory_space<vmem>> -> memref<80xi32, #tpu.memory_space<vmem>>
    %dma_start3A_107 = tpu.memref_slice %arg3[%add3A_85] : memref<320000xi32, #tpu.memory_space<hbm>> -> memref<80xi32, #tpu.memory_space<hbm>>
    tpu.enqueue_dma source(%dma_start3A_107 : memref<80xi32, #tpu.memory_space<hbm>>) target(%dma_start3A_106 : memref<80xi32, #tpu.memory_space<vmem>>) target_semaphore(%dma_start3A_103 : memref<!tpu.dma_semaphore, #tpu.memory_space<semaphore_mem>>)
    %rem3A_108 = arith.constant 4 : i32
    %rem3A_109 = arith.constant 8 : i32
    %rem3A_110 = arith.remsi %rem3A_108, %rem3A_109 : i32
    %add3A_111 = arith.constant 320 : i32
    %add3A_112 = arith.addi %mul3A_2, %add3A_111 : i32
    %add3A_113 = arith.constant 160000 : i32
    %add3A_114 = arith.addi %add3A_113, %add3A_112 : i32
    %dma_start3A_115 = arith.constant 0 : i32
    %dma_start3A_116 = tpu.memref_slice %arg7[%rem3A_110, %dma_start3A_115] : memref<8x80xi32, #tpu.memory_space<vmem>> -> memref<1x80xi32, #tpu.memory_space<vmem>>
    %dma_start3A_117 = tpu.memref_squeeze %dma_start3A_116 : memref<1x80xi32, #tpu.memory_space<vmem>> -> memref<80xi32, #tpu.memory_space<vmem>>
    %dma_start3A_118 = tpu.memref_slice %arg3[%add3A_114] : memref<320000xi32, #tpu.memory_space<hbm>> -> memref<80xi32, #tpu.memory_space<hbm>>
    %dma_start3A_119 = tpu.memref_slice %arg12[%rem3A_110] : memref<8x!tpu.dma_semaphore, #tpu.memory_space<semaphore_mem>> -> memref<1x!tpu.dma_semaphore, #tpu.memory_space<semaphore_mem>>
    %dma_start3A_120 = tpu.memref_squeeze %dma_start3A_119 : memref<1x!tpu.dma_semaphore, #tpu.memory_space<semaphore_mem>> -> memref<!tpu.dma_semaphore, #tpu.memory_space<semaphore_mem>>
    %dma_start3A_121 = arith.constant 0 : i32
    %dma_start3A_122 = tpu.memref_slice %arg7[%rem3A_110, %dma_start3A_121] : memref<8x80xi32, #tpu.memory_space<vmem>> -> memref<1x80xi32, #tpu.memory_space<vmem>>
    %dma_start3A_123 = tpu.memref_squeeze %dma_start3A_122 : memref<1x80xi32, #tpu.memory_space<vmem>> -> memref<80xi32, #tpu.memory_space<vmem>>
    %dma_start3A_124 = tpu.memref_slice %arg3[%add3A_114] : memref<320000xi32, #tpu.memory_space<hbm>> -> memref<80xi32, #tpu.memory_space<hbm>>
    tpu.enqueue_dma source(%dma_start3A_124 : memref<80xi32, #tpu.memory_space<hbm>>) target(%dma_start3A_123 : memref<80xi32, #tpu.memory_space<vmem>>) target_semaphore(%dma_start3A_120 : memref<!tpu.dma_semaphore, #tpu.memory_space<semaphore_mem>>)
    %dma_start3A_125 = arith.constant 0 : i32
    %dma_start3A_126 = tpu.memref_slice %arg8[%rem3A_110, %dma_start3A_125] : memref<8x80xi32, #tpu.memory_space<vmem>> -> memref<1x80xi32, #tpu.memory_space<vmem>>
    %dma_start3A_127 = tpu.memref_squeeze %dma_start3A_126 : memref<1x80xi32, #tpu.memory_space<vmem>> -> memref<80xi32, #tpu.memory_space<vmem>>
    %dma_start3A_128 = tpu.memref_slice %arg3[%add3A_112] : memref<320000xi32, #tpu.memory_space<hbm>> -> memref<80xi32, #tpu.memory_space<hbm>>
    %dma_start3A_129 = tpu.memref_slice %arg13[%rem3A_110] : memref<8x!tpu.dma_semaphore, #tpu.memory_space<semaphore_mem>> -> memref<1x!tpu.dma_semaphore, #tpu.memory_space<semaphore_mem>>
    %dma_start3A_130 = tpu.memref_squeeze %dma_start3A_129 : memref<1x!tpu.dma_semaphore, #tpu.memory_space<semaphore_mem>> -> memref<!tpu.dma_semaphore, #tpu.memory_space<semaphore_mem>>
    %dma_start3A_131 = arith.constant 0 : i32
    %dma_start3A_132 = tpu.memref_slice %arg8[%rem3A_110, %dma_start3A_131] : memref<8x80xi32, #tpu.memory_space<vmem>> -> memref<1x80xi32, #tpu.memory_space<vmem>>
    %dma_start3A_133 = tpu.memref_squeeze %dma_start3A_132 : memref<1x80xi32, #tpu.memory_space<vmem>> -> memref<80xi32, #tpu.memory_space<vmem>>
    %dma_start3A_134 = tpu.memref_slice %arg3[%add3A_112] : memref<320000xi32, #tpu.memory_space<hbm>> -> memref<80xi32, #tpu.memory_space<hbm>>
    tpu.enqueue_dma source(%dma_start3A_134 : memref<80xi32, #tpu.memory_space<hbm>>) target(%dma_start3A_133 : memref<80xi32, #tpu.memory_space<vmem>>) target_semaphore(%dma_start3A_130 : memref<!tpu.dma_semaphore, #tpu.memory_space<semaphore_mem>>)
    %rem3A_135 = arith.constant 5 : i32
    %rem3A_136 = arith.constant 8 : i32
    %rem3A_137 = arith.remsi %rem3A_135, %rem3A_136 : i32
    %add3A_138 = arith.constant 400 : i32
    %add3A_139 = arith.addi %mul3A_2, %add3A_138 : i32
    %add3A_140 = arith.constant 160000 : i32
    %add3A_141 = arith.addi %add3A_140, %add3A_139 : i32
    %dma_start3A_142 = arith.constant 0 : i32
    %dma_start3A_143 = tpu.memref_slice %arg7[%rem3A_137, %dma_start3A_142] : memref<8x80xi32, #tpu.memory_space<vmem>> -> memref<1x80xi32, #tpu.memory_space<vmem>>
    %dma_start3A_144 = tpu.memref_squeeze %dma_start3A_143 : memref<1x80xi32, #tpu.memory_space<vmem>> -> memref<80xi32, #tpu.memory_space<vmem>>
    %dma_start3A_145 = tpu.memref_slice %arg3[%add3A_141] : memref<320000xi32, #tpu.memory_space<hbm>> -> memref<80xi32, #tpu.memory_space<hbm>>
    %dma_start3A_146 = tpu.memref_slice %arg12[%rem3A_137] : memref<8x!tpu.dma_semaphore, #tpu.memory_space<semaphore_mem>> -> memref<1x!tpu.dma_semaphore, #tpu.memory_space<semaphore_mem>>
    %dma_start3A_147 = tpu.memref_squeeze %dma_start3A_146 : memref<1x!tpu.dma_semaphore, #tpu.memory_space<semaphore_mem>> -> memref<!tpu.dma_semaphore, #tpu.memory_space<semaphore_mem>>
    %dma_start3A_148 = arith.constant 0 : i32
    %dma_start3A_149 = tpu.memref_slice %arg7[%rem3A_137, %dma_start3A_148] : memref<8x80xi32, #tpu.memory_space<vmem>> -> memref<1x80xi32, #tpu.memory_space<vmem>>
    %dma_start3A_150 = tpu.memref_squeeze %dma_start3A_149 : memref<1x80xi32, #tpu.memory_space<vmem>> -> memref<80xi32, #tpu.memory_space<vmem>>
    %dma_start3A_151 = tpu.memref_slice %arg3[%add3A_141] : memref<320000xi32, #tpu.memory_space<hbm>> -> memref<80xi32, #tpu.memory_space<hbm>>
    tpu.enqueue_dma source(%dma_start3A_151 : memref<80xi32, #tpu.memory_space<hbm>>) target(%dma_start3A_150 : memref<80xi32, #tpu.memory_space<vmem>>) target_semaphore(%dma_start3A_147 : memref<!tpu.dma_semaphore, #tpu.memory_space<semaphore_mem>>)
    %dma_start3A_152 = arith.constant 0 : i32
    %dma_start3A_153 = tpu.memref_slice %arg8[%rem3A_137, %dma_start3A_152] : memref<8x80xi32, #tpu.memory_space<vmem>> -> memref<1x80xi32, #tpu.memory_space<vmem>>
    %dma_start3A_154 = tpu.memref_squeeze %dma_start3A_153 : memref<1x80xi32, #tpu.memory_space<vmem>> -> memref<80xi32, #tpu.memory_space<vmem>>
    %dma_start3A_155 = tpu.memref_slice %arg3[%add3A_139] : memref<320000xi32, #tpu.memory_space<hbm>> -> memref<80xi32, #tpu.memory_space<hbm>>
    %dma_start3A_156 = tpu.memref_slice %arg13[%rem3A_137] : memref<8x!tpu.dma_semaphore, #tpu.memory_space<semaphore_mem>> -> memref<1x!tpu.dma_semaphore, #tpu.memory_space<semaphore_mem>>
    %dma_start3A_157 = tpu.memref_squeeze %dma_start3A_156 : memref<1x!tpu.dma_semaphore, #tpu.memory_space<semaphore_mem>> -> memref<!tpu.dma_semaphore, #tpu.memory_space<semaphore_mem>>
    %dma_start3A_158 = arith.constant 0 : i32
    %dma_start3A_159 = tpu.memref_slice %arg8[%rem3A_137, %dma_start3A_158] : memref<8x80xi32, #tpu.memory_space<vmem>> -> memref<1x80xi32, #tpu.memory_space<vmem>>
    %dma_start3A_160 = tpu.memref_squeeze %dma_start3A_159 : memref<1x80xi32, #tpu.memory_space<vmem>> -> memref<80xi32, #tpu.memory_space<vmem>>
    %dma_start3A_161 = tpu.memref_slice %arg3[%add3A_139] : memref<320000xi32, #tpu.memory_space<hbm>> -> memref<80xi32, #tpu.memory_space<hbm>>
    tpu.enqueue_dma source(%dma_start3A_161 : memref<80xi32, #tpu.memory_space<hbm>>) target(%dma_start3A_160 : memref<80xi32, #tpu.memory_space<vmem>>) target_semaphore(%dma_start3A_157 : memref<!tpu.dma_semaphore, #tpu.memory_space<semaphore_mem>>)
    %rem3A_162 = arith.constant 0 : i32
    %rem3A_163 = arith.constant 8 : i32
    %rem3A_164 = arith.remsi %rem3A_162, %rem3A_163 : i32
    %add3A_165 = arith.constant 0 : i32
    %add3A_166 = arith.addi %mul3A_2, %add3A_165 : i32
    %add3A_167 = arith.constant 160000 : i32
    %add3A_168 = arith.addi %add3A_167, %add3A_166 : i32
    %dma_wait3A = arith.constant 0 : i32
    %dma_wait3A_169 = tpu.memref_slice %arg7[%rem3A_164, %dma_wait3A] : memref<8x80xi32, #tpu.memory_space<vmem>> -> memref<1x80xi32, #tpu.memory_space<vmem>>
    %dma_wait3A_170 = tpu.memref_squeeze %dma_wait3A_169 : memref<1x80xi32, #tpu.memory_space<vmem>> -> memref<80xi32, #tpu.memory_space<vmem>>
    %dma_wait3A_171 = tpu.memref_slice %arg3[%add3A_168] : memref<320000xi32, #tpu.memory_space<hbm>> -> memref<80xi32, #tpu.memory_space<hbm>>
    %dma_wait3A_172 = tpu.memref_slice %arg12[%rem3A_164] : memref<8x!tpu.dma_semaphore, #tpu.memory_space<semaphore_mem>> -> memref<1x!tpu.dma_semaphore, #tpu.memory_space<semaphore_mem>>
    %dma_wait3A_173 = tpu.memref_squeeze %dma_wait3A_172 : memref<1x!tpu.dma_semaphore, #tpu.memory_space<semaphore_mem>> -> memref<!tpu.dma_semaphore, #tpu.memory_space<semaphore_mem>>
    %dma_wait3A_174 = arith.constant 0 : i32
    %dma_wait3A_175 = tpu.memref_slice %arg7[%rem3A_164, %dma_wait3A_174] : memref<8x80xi32, #tpu.memory_space<vmem>> -> memref<1x80xi32, #tpu.memory_space<vmem>>
    %dma_wait3A_176 = tpu.memref_squeeze %dma_wait3A_175 : memref<1x80xi32, #tpu.memory_space<vmem>> -> memref<80xi32, #tpu.memory_space<vmem>>
    %dma_wait3A_177 = tpu.memref_slice %arg3[%add3A_168] : memref<320000xi32, #tpu.memory_space<hbm>> -> memref<80xi32, #tpu.memory_space<hbm>>
    tpu.wait_dma2 semaphore(%dma_wait3A_173 : memref<!tpu.dma_semaphore, #tpu.memory_space<semaphore_mem>>) src(%dma_wait3A_177 : memref<80xi32, #tpu.memory_space<hbm>>) dst(%dma_wait3A_176 : memref<80xi32, #tpu.memory_space<vmem>>)
    %dma_wait3A_178 = arith.constant 0 : i32
    %dma_wait3A_179 = tpu.memref_slice %arg8[%rem3A_164, %dma_wait3A_178] : memref<8x80xi32, #tpu.memory_space<vmem>> -> memref<1x80xi32, #tpu.memory_space<vmem>>
    %dma_wait3A_180 = tpu.memref_squeeze %dma_wait3A_179 : memref<1x80xi32, #tpu.memory_space<vmem>> -> memref<80xi32, #tpu.memory_space<vmem>>
    %dma_wait3A_181 = tpu.memref_slice %arg3[%add3A_166] : memref<320000xi32, #tpu.memory_space<hbm>> -> memref<80xi32, #tpu.memory_space<hbm>>
    %dma_wait3A_182 = tpu.memref_slice %arg13[%rem3A_164] : memref<8x!tpu.dma_semaphore, #tpu.memory_space<semaphore_mem>> -> memref<1x!tpu.dma_semaphore, #tpu.memory_space<semaphore_mem>>
    %dma_wait3A_183 = tpu.memref_squeeze %dma_wait3A_182 : memref<1x!tpu.dma_semaphore, #tpu.memory_space<semaphore_mem>> -> memref<!tpu.dma_semaphore, #tpu.memory_space<semaphore_mem>>
    %dma_wait3A_184 = arith.constant 0 : i32
    %dma_wait3A_185 = tpu.memref_slice %arg8[%rem3A_164, %dma_wait3A_184] : memref<8x80xi32, #tpu.memory_space<vmem>> -> memref<1x80xi32, #tpu.memory_space<vmem>>
    %dma_wait3A_186 = tpu.memref_squeeze %dma_wait3A_185 : memref<1x80xi32, #tpu.memory_space<vmem>> -> memref<80xi32, #tpu.memory_space<vmem>>
    %dma_wait3A_187 = tpu.memref_slice %arg3[%add3A_166] : memref<320000xi32, #tpu.memory_space<hbm>> -> memref<80xi32, #tpu.memory_space<hbm>>
    tpu.wait_dma2 semaphore(%dma_wait3A_183 : memref<!tpu.dma_semaphore, #tpu.memory_space<semaphore_mem>>) src(%dma_wait3A_187 : memref<80xi32, #tpu.memory_space<hbm>>) dst(%dma_wait3A_186 : memref<80xi32, #tpu.memory_space<vmem>>)
    %rem3A_188 = arith.constant 0 : i32
    %rem3A_189 = arith.constant 8 : i32
    %rem3A_190 = arith.remsi %rem3A_188, %rem3A_189 : i32
    %dma_start3A_191 = arith.constant 0 : i32
    %dma_start3A_192 = arith.constant 0 : i32
    %dma_start3A_193 = arith.constant 0 : i32
    %dma_start3A_194 = arith.constant 0 : i32
    %dma_start3A_195 = tpu.memref_slice %arg9[%dma_start3A_191, %dma_start3A_193, %dma_start3A_194] : memref<4x80x128xf32, #tpu.memory_space<vmem>> -> memref<1x80x128xf32, #tpu.memory_space<vmem>>
    %dma_start3A_196 = tpu.memref_squeeze %dma_start3A_195 : memref<1x80x128xf32, #tpu.memory_space<vmem>> -> memref<80x128xf32, #tpu.memory_space<vmem>>
    %dma_start3A_197 = arith.constant 0 : i32
    %dma_start3A_198 = tpu.memref_slice %arg7[%rem3A_190, %dma_start3A_197] : memref<8x80xi32, #tpu.memory_space<vmem>> -> memref<1x80xi32, #tpu.memory_space<vmem>>
    %dma_start3A_199 = tpu.memref_squeeze %dma_start3A_198 : memref<1x80xi32, #tpu.memory_space<vmem>> -> memref<80xi32, #tpu.memory_space<vmem>>
    %dma_start3A_200 = arith.constant 0 : i32
    %dma_start3A_201 = tpu.memref_slice %arg2[%dma_start3A_200, %mul3A_0] : memref<10000x256xf32, #tpu.memory_space<hbm>> -> memref<10000x128xf32, #tpu.memory_space<hbm>>
    %dma_start3A_202 = tpu.memref_slice %arg10[%dma_start3A_192] : memref<4x!tpu.dma_semaphore, #tpu.memory_space<semaphore_mem>> -> memref<1x!tpu.dma_semaphore, #tpu.memory_space<semaphore_mem>>
    %dma_start3A_203 = tpu.memref_squeeze %dma_start3A_202 : memref<1x!tpu.dma_semaphore, #tpu.memory_space<semaphore_mem>> -> memref<!tpu.dma_semaphore, #tpu.memory_space<semaphore_mem>>
    tpu.enqueue_indirect_dma source(%dma_start3A_201 : memref<10000x128xf32, #tpu.memory_space<hbm>>) target(%dma_start3A_196 : memref<80x128xf32, #tpu.memory_space<vmem>>) offsets(%dma_start3A_199 : memref<80xi32, #tpu.memory_space<vmem>>) semaphore(%dma_start3A_203 : memref<!tpu.dma_semaphore, #tpu.memory_space<semaphore_mem>>)
    %rem3A_204 = arith.constant 1 : i32
    %rem3A_205 = arith.constant 8 : i32
    %rem3A_206 = arith.remsi %rem3A_204, %rem3A_205 : i32
    %add3A_207 = arith.constant 80 : i32
    %add3A_208 = arith.addi %mul3A_2, %add3A_207 : i32
    %add3A_209 = arith.constant 160000 : i32
    %add3A_210 = arith.addi %add3A_209, %add3A_208 : i32
    %dma_wait3A_211 = arith.constant 0 : i32
    %dma_wait3A_212 = tpu.memref_slice %arg7[%rem3A_206, %dma_wait3A_211] : memref<8x80xi32, #tpu.memory_space<vmem>> -> memref<1x80xi32, #tpu.memory_space<vmem>>
    %dma_wait3A_213 = tpu.memref_squeeze %dma_wait3A_212 : memref<1x80xi32, #tpu.memory_space<vmem>> -> memref<80xi32, #tpu.memory_space<vmem>>
    %dma_wait3A_214 = tpu.memref_slice %arg3[%add3A_210] : memref<320000xi32, #tpu.memory_space<hbm>> -> memref<80xi32, #tpu.memory_space<hbm>>
    %dma_wait3A_215 = tpu.memref_slice %arg12[%rem3A_206] : memref<8x!tpu.dma_semaphore, #tpu.memory_space<semaphore_mem>> -> memref<1x!tpu.dma_semaphore, #tpu.memory_space<semaphore_mem>>
    %dma_wait3A_216 = tpu.memref_squeeze %dma_wait3A_215 : memref<1x!tpu.dma_semaphore, #tpu.memory_space<semaphore_mem>> -> memref<!tpu.dma_semaphore, #tpu.memory_space<semaphore_mem>>
    %dma_wait3A_217 = arith.constant 0 : i32
    %dma_wait3A_218 = tpu.memref_slice %arg7[%rem3A_206, %dma_wait3A_217] : memref<8x80xi32, #tpu.memory_space<vmem>> -> memref<1x80xi32, #tpu.memory_space<vmem>>
    %dma_wait3A_219 = tpu.memref_squeeze %dma_wait3A_218 : memref<1x80xi32, #tpu.memory_space<vmem>> -> memref<80xi32, #tpu.memory_space<vmem>>
    %dma_wait3A_220 = tpu.memref_slice %arg3[%add3A_210] : memref<320000xi32, #tpu.memory_space<hbm>> -> memref<80xi32, #tpu.memory_space<hbm>>
    tpu.wait_dma2 semaphore(%dma_wait3A_216 : memref<!tpu.dma_semaphore, #tpu.memory_space<semaphore_mem>>) src(%dma_wait3A_220 : memref<80xi32, #tpu.memory_space<hbm>>) dst(%dma_wait3A_219 : memref<80xi32, #tpu.memory_space<vmem>>)
    %dma_wait3A_221 = arith.constant 0 : i32
    %dma_wait3A_222 = tpu.memref_slice %arg8[%rem3A_206, %dma_wait3A_221] : memref<8x80xi32, #tpu.memory_space<vmem>> -> memref<1x80xi32, #tpu.memory_space<vmem>>
    %dma_wait3A_223 = tpu.memref_squeeze %dma_wait3A_222 : memref<1x80xi32, #tpu.memory_space<vmem>> -> memref<80xi32, #tpu.memory_space<vmem>>
    %dma_wait3A_224 = tpu.memref_slice %arg3[%add3A_208] : memref<320000xi32, #tpu.memory_space<hbm>> -> memref<80xi32, #tpu.memory_space<hbm>>
    %dma_wait3A_225 = tpu.memref_slice %arg13[%rem3A_206] : memref<8x!tpu.dma_semaphore, #tpu.memory_space<semaphore_mem>> -> memref<1x!tpu.dma_semaphore, #tpu.memory_space<semaphore_mem>>
    %dma_wait3A_226 = tpu.memref_squeeze %dma_wait3A_225 : memref<1x!tpu.dma_semaphore, #tpu.memory_space<semaphore_mem>> -> memref<!tpu.dma_semaphore, #tpu.memory_space<semaphore_mem>>
    %dma_wait3A_227 = arith.constant 0 : i32
    %dma_wait3A_228 = tpu.memref_slice %arg8[%rem3A_206, %dma_wait3A_227] : memref<8x80xi32, #tpu.memory_space<vmem>> -> memref<1x80xi32, #tpu.memory_space<vmem>>
    %dma_wait3A_229 = tpu.memref_squeeze %dma_wait3A_228 : memref<1x80xi32, #tpu.memory_space<vmem>> -> memref<80xi32, #tpu.memory_space<vmem>>
    %dma_wait3A_230 = tpu.memref_slice %arg3[%add3A_208] : memref<320000xi32, #tpu.memory_space<hbm>> -> memref<80xi32, #tpu.memory_space<hbm>>
    tpu.wait_dma2 semaphore(%dma_wait3A_226 : memref<!tpu.dma_semaphore, #tpu.memory_space<semaphore_mem>>) src(%dma_wait3A_230 : memref<80xi32, #tpu.memory_space<hbm>>) dst(%dma_wait3A_229 : memref<80xi32, #tpu.memory_space<vmem>>)
    %rem3A_231 = arith.constant 1 : i32
    %rem3A_232 = arith.constant 8 : i32
    %rem3A_233 = arith.remsi %rem3A_231, %rem3A_232 : i32
    %dma_start3A_234 = arith.constant 1 : i32
    %dma_start3A_235 = arith.constant 1 : i32
    %dma_start3A_236 = arith.constant 0 : i32
    %dma_start3A_237 = arith.constant 0 : i32
    %dma_start3A_238 = tpu.memref_slice %arg9[%dma_start3A_234, %dma_start3A_236, %dma_start3A_237] : memref<4x80x128xf32, #tpu.memory_space<vmem>> -> memref<1x80x128xf32, #tpu.memory_space<vmem>>
    %dma_start3A_239 = tpu.memref_squeeze %dma_start3A_238 : memref<1x80x128xf32, #tpu.memory_space<vmem>> -> memref<80x128xf32, #tpu.memory_space<vmem>>
    %dma_start3A_240 = arith.constant 0 : i32
    %dma_start3A_241 = tpu.memref_slice %arg7[%rem3A_233, %dma_start3A_240] : memref<8x80xi32, #tpu.memory_space<vmem>> -> memref<1x80xi32, #tpu.memory_space<vmem>>
    %dma_start3A_242 = tpu.memref_squeeze %dma_start3A_241 : memref<1x80xi32, #tpu.memory_space<vmem>> -> memref<80xi32, #tpu.memory_space<vmem>>
    %dma_start3A_243 = arith.constant 0 : i32
    %dma_start3A_244 = tpu.memref_slice %arg2[%dma_start3A_243, %mul3A_0] : memref<10000x256xf32, #tpu.memory_space<hbm>> -> memref<10000x128xf32, #tpu.memory_space<hbm>>
    %dma_start3A_245 = tpu.memref_slice %arg10[%dma_start3A_235] : memref<4x!tpu.dma_semaphore, #tpu.memory_space<semaphore_mem>> -> memref<1x!tpu.dma_semaphore, #tpu.memory_space<semaphore_mem>>
    %dma_start3A_246 = tpu.memref_squeeze %dma_start3A_245 : memref<1x!tpu.dma_semaphore, #tpu.memory_space<semaphore_mem>> -> memref<!tpu.dma_semaphore, #tpu.memory_space<semaphore_mem>>
    tpu.enqueue_indirect_dma source(%dma_start3A_244 : memref<10000x128xf32, #tpu.memory_space<hbm>>) target(%dma_start3A_239 : memref<80x128xf32, #tpu.memory_space<vmem>>) offsets(%dma_start3A_242 : memref<80xi32, #tpu.memory_space<vmem>>) semaphore(%dma_start3A_246 : memref<!tpu.dma_semaphore, #tpu.memory_space<semaphore_mem>>)
    %mul3A_247 = arith.constant 624 : i32
    %mul3A_248 = arith.muli %arg1, %mul3A_247 : i32
    %add3A_249 = arith.constant 0 : i32
    %add3A_250 = arith.addi %mul3A_248, %add3A_249 : i32
    "tpu.region"() ({
      %run_scoped3A = tpu.sem_alloc : memref<!tpu.dma_semaphore, #tpu.memory_space<semaphore_mem>>
      %dma_start3A_302 = arith.constant 0 : i32
      %dma_start3A_303 = tpu.memref_slice %arg6[%add3A_250, %dma_start3A_302] : memref<10000x128xf32, #tpu.memory_space<vmem_shared>> -> memref<208x128xf32, #tpu.memory_space<vmem_shared>>
      tpu.enqueue_dma source(%arg4 : memref<208x128xf32, #tpu.memory_space<hbm>>) target(%dma_start3A_303 : memref<208x128xf32, #tpu.memory_space<vmem_shared>>) target_semaphore(%run_scoped3A : memref<!tpu.dma_semaphore, #tpu.memory_space<semaphore_mem>>)
      %dma_wait3A_304 = arith.constant 0 : i32
      %dma_wait3A_305 = tpu.memref_slice %arg6[%add3A_250, %dma_wait3A_304] : memref<10000x128xf32, #tpu.memory_space<vmem_shared>> -> memref<208x128xf32, #tpu.memory_space<vmem_shared>>
      tpu.wait_dma2 semaphore(%run_scoped3A : memref<!tpu.dma_semaphore, #tpu.memory_space<semaphore_mem>>) src(%arg4 : memref<208x128xf32, #tpu.memory_space<hbm>>) dst(%dma_wait3A_305 : memref<208x128xf32, #tpu.memory_space<vmem_shared>>)
      tpu.yield
    }) : () -> ()
    %add3A_251 = arith.constant 208 : i32
    %add3A_252 = arith.addi %mul3A_248, %add3A_251 : i32
    "tpu.region"() ({
      %run_scoped3A = tpu.sem_alloc : memref<!tpu.dma_semaphore, #tpu.memory_space<semaphore_mem>>
      %dma_start3A_302 = arith.constant 0 : i32
      %dma_start3A_303 = tpu.memref_slice %arg6[%add3A_252, %dma_start3A_302] : memref<10000x128xf32, #tpu.memory_space<vmem_shared>> -> memref<208x128xf32, #tpu.memory_space<vmem_shared>>
      tpu.enqueue_dma source(%arg4 : memref<208x128xf32, #tpu.memory_space<hbm>>) target(%dma_start3A_303 : memref<208x128xf32, #tpu.memory_space<vmem_shared>>) target_semaphore(%run_scoped3A : memref<!tpu.dma_semaphore, #tpu.memory_space<semaphore_mem>>)
      %dma_wait3A_304 = arith.constant 0 : i32
      %dma_wait3A_305 = tpu.memref_slice %arg6[%add3A_252, %dma_wait3A_304] : memref<10000x128xf32, #tpu.memory_space<vmem_shared>> -> memref<208x128xf32, #tpu.memory_space<vmem_shared>>
      tpu.wait_dma2 semaphore(%run_scoped3A : memref<!tpu.dma_semaphore, #tpu.memory_space<semaphore_mem>>) src(%arg4 : memref<208x128xf32, #tpu.memory_space<hbm>>) dst(%dma_wait3A_305 : memref<208x128xf32, #tpu.memory_space<vmem_shared>>)
      tpu.yield
    }) : () -> ()
    %add3A_253 = arith.constant 416 : i32
    %add3A_254 = arith.addi %mul3A_248, %add3A_253 : i32
    "tpu.region"() ({
      %run_scoped3A = tpu.sem_alloc : memref<!tpu.dma_semaphore, #tpu.memory_space<semaphore_mem>>
      %dma_start3A_302 = arith.constant 0 : i32
      %dma_start3A_303 = tpu.memref_slice %arg6[%add3A_254, %dma_start3A_302] : memref<10000x128xf32, #tpu.memory_space<vmem_shared>> -> memref<208x128xf32, #tpu.memory_space<vmem_shared>>
      tpu.enqueue_dma source(%arg4 : memref<208x128xf32, #tpu.memory_space<hbm>>) target(%dma_start3A_303 : memref<208x128xf32, #tpu.memory_space<vmem_shared>>) target_semaphore(%run_scoped3A : memref<!tpu.dma_semaphore, #tpu.memory_space<semaphore_mem>>)
      %dma_wait3A_304 = arith.constant 0 : i32
      %dma_wait3A_305 = tpu.memref_slice %arg6[%add3A_254, %dma_wait3A_304] : memref<10000x128xf32, #tpu.memory_space<vmem_shared>> -> memref<208x128xf32, #tpu.memory_space<vmem_shared>>
      tpu.wait_dma2 semaphore(%run_scoped3A : memref<!tpu.dma_semaphore, #tpu.memory_space<semaphore_mem>>) src(%arg4 : memref<208x128xf32, #tpu.memory_space<hbm>>) dst(%dma_wait3A_305 : memref<208x128xf32, #tpu.memory_space<vmem_shared>>)
      tpu.yield
    }) : () -> ()
    %eq3A = arith.constant 0 : i32
    %eq3A_255 = arith.cmpi eq, %arg1, %eq3A : i32
    %convert_element_type3A = arith.extui %eq3A_255 : i1 to i32
    %cond3A = arith.constant 0 : i32
    %cond3A_256 = arith.cmpi ne, %convert_element_type3A, %cond3A : i32
    scf.if %cond3A_256 {
      "tpu.region"() ({
        %run_scoped3A = tpu.sem_alloc : memref<!tpu.dma_semaphore, #tpu.memory_space<semaphore_mem>>
        %dma_start3A_302 = arith.constant 9984 : i32
        %dma_start3A_303 = arith.constant 0 : i32
        %dma_start3A_304 = tpu.memref_slice %arg6[%dma_start3A_302, %dma_start3A_303] : memref<10000x128xf32, #tpu.memory_space<vmem_shared>> -> memref<16x128xf32, #tpu.memory_space<vmem_shared>>
        %dma_start3A_305 = arith.constant 0 : i32
        %dma_start3A_306 = arith.constant 0 : i32
        %dma_start3A_307 = tpu.memref_slice %arg4[%dma_start3A_305, %dma_start3A_306] : memref<208x128xf32, #tpu.memory_space<hbm>> -> memref<16x128xf32, #tpu.memory_space<hbm>>
        tpu.enqueue_dma source(%dma_start3A_307 : memref<16x128xf32, #tpu.memory_space<hbm>>) target(%dma_start3A_304 : memref<16x128xf32, #tpu.memory_space<vmem_shared>>) target_semaphore(%run_scoped3A : memref<!tpu.dma_semaphore, #tpu.memory_space<semaphore_mem>>)
        %dma_wait3A_308 = arith.constant 9984 : i32
        %dma_wait3A_309 = arith.constant 0 : i32
        %dma_wait3A_310 = tpu.memref_slice %arg6[%dma_wait3A_308, %dma_wait3A_309] : memref<10000x128xf32, #tpu.memory_space<vmem_shared>> -> memref<16x128xf32, #tpu.memory_space<vmem_shared>>
        %dma_wait3A_311 = arith.constant 0 : i32
        %dma_wait3A_312 = arith.constant 0 : i32
        %dma_wait3A_313 = tpu.memref_slice %arg4[%dma_wait3A_311, %dma_wait3A_312] : memref<208x128xf32, #tpu.memory_space<hbm>> -> memref<16x128xf32, #tpu.memory_space<hbm>>
        tpu.wait_dma2 semaphore(%run_scoped3A : memref<!tpu.dma_semaphore, #tpu.memory_space<semaphore_mem>>) src(%dma_wait3A_313 : memref<16x128xf32, #tpu.memory_space<hbm>>) dst(%dma_wait3A_310 : memref<16x128xf32, #tpu.memory_space<vmem_shared>>)
        tpu.yield
      }) : () -> ()
    } else {
    }
    %barrier3A = arith.constant 0 : index
    tpu.barrier barrier_id(%barrier3A)
    %scan3A = arith.constant 0 : i32
    %scan3A_257 = arith.constant 0 : i32
    %scan3A_258 = arith.constant 125 : i32
    %scan3A_259 = arith.addi %scan3A_257, %scan3A_258 : i32
    %scan3A_260 = arith.constant 1 : i32
    scf.for %scan3A_302 = %scan3A_257 to %scan3A_259 step %scan3A_260  : i32 {
      %rem3A_303 = arith.constant 4 : i32
      %rem3A_304 = arith.remsi %scan3A_302, %rem3A_303 : i32
      %rem3A_305 = arith.constant 8 : i32
      %rem3A_306 = arith.remsi %scan3A_302, %rem3A_305 : i32
      %dma_wait3A_307 = arith.constant 0 : i32
      %dma_wait3A_308 = arith.constant 0 : i32
      %dma_wait3A_309 = tpu.memref_slice %arg9[%rem3A_304, %dma_wait3A_307, %dma_wait3A_308] : memref<4x80x128xf32, #tpu.memory_space<vmem>> -> memref<1x80x128xf32, #tpu.memory_space<vmem>>
      %dma_wait3A_310 = tpu.memref_squeeze %dma_wait3A_309 : memref<1x80x128xf32, #tpu.memory_space<vmem>> -> memref<80x128xf32, #tpu.memory_space<vmem>>
      %dma_wait3A_311 = arith.constant 0 : i32
      %dma_wait3A_312 = tpu.memref_slice %arg7[%rem3A_306, %dma_wait3A_311] : memref<8x80xi32, #tpu.memory_space<vmem>> -> memref<1x80xi32, #tpu.memory_space<vmem>>
      %dma_wait3A_313 = tpu.memref_squeeze %dma_wait3A_312 : memref<1x80xi32, #tpu.memory_space<vmem>> -> memref<80xi32, #tpu.memory_space<vmem>>
      %dma_wait3A_314 = arith.constant 0 : i32
      %dma_wait3A_315 = tpu.memref_slice %arg2[%dma_wait3A_314, %mul3A_0] : memref<10000x256xf32, #tpu.memory_space<hbm>> -> memref<10000x128xf32, #tpu.memory_space<hbm>>
      %dma_wait3A_316 = tpu.memref_slice %arg10[%rem3A_304] : memref<4x!tpu.dma_semaphore, #tpu.memory_space<semaphore_mem>> -> memref<1x!tpu.dma_semaphore, #tpu.memory_space<semaphore_mem>>
      %dma_wait3A_317 = tpu.memref_squeeze %dma_wait3A_316 : memref<1x!tpu.dma_semaphore, #tpu.memory_space<semaphore_mem>> -> memref<!tpu.dma_semaphore, #tpu.memory_space<semaphore_mem>>
      tpu.wait_indirect_dma semaphore(%dma_wait3A_317 : memref<!tpu.dma_semaphore, #tpu.memory_space<semaphore_mem>>) src(%dma_wait3A_315 : memref<10000x128xf32, #tpu.memory_space<hbm>>) dst(%dma_wait3A_310 : memref<80x128xf32, #tpu.memory_space<vmem>>)
      %rem3A_318 = arith.constant 8 : i32
      %rem3A_319 = arith.remsi %scan3A_302, %rem3A_318 : i32
      %dma_start3A_320 = arith.constant 0 : i32
      %dma_start3A_321 = arith.constant 0 : i32
      %dma_start3A_322 = tpu.memref_slice %arg9[%rem3A_304, %dma_start3A_320, %dma_start3A_321] : memref<4x80x128xf32, #tpu.memory_space<vmem>> -> memref<1x80x128xf32, #tpu.memory_space<vmem>>
      %dma_start3A_323 = tpu.memref_squeeze %dma_start3A_322 : memref<1x80x128xf32, #tpu.memory_space<vmem>> -> memref<80x128xf32, #tpu.memory_space<vmem>>
      %dma_start3A_324 = arith.constant 0 : i32
      %dma_start3A_325 = tpu.memref_slice %arg8[%rem3A_319, %dma_start3A_324] : memref<8x80xi32, #tpu.memory_space<vmem>> -> memref<1x80xi32, #tpu.memory_space<vmem>>
      %dma_start3A_326 = tpu.memref_squeeze %dma_start3A_325 : memref<1x80xi32, #tpu.memory_space<vmem>> -> memref<80xi32, #tpu.memory_space<vmem>>
      %dma_start3A_327 = arith.constant 0 : i32
      %dma_start3A_328 = arith.constant 0 : i32
      %dma_start3A_329 = tpu.memref_slice %arg6[%dma_start3A_327, %dma_start3A_328] : memref<10000x128xf32, #tpu.memory_space<vmem_shared>> -> memref<10000x128xf32, #tpu.memory_space<vmem_shared>>
      %dma_start3A_330 = tpu.memref_slice %arg11[%rem3A_304] : memref<4x!tpu.dma_semaphore, #tpu.memory_space<semaphore_mem>> -> memref<1x!tpu.dma_semaphore, #tpu.memory_space<semaphore_mem>>
      %dma_start3A_331 = tpu.memref_squeeze %dma_start3A_330 : memref<1x!tpu.dma_semaphore, #tpu.memory_space<semaphore_mem>> -> memref<!tpu.dma_semaphore, #tpu.memory_space<semaphore_mem>>
      tpu.enqueue_indirect_dma source(%dma_start3A_323 : memref<80x128xf32, #tpu.memory_space<vmem>>) target(%dma_start3A_329 : memref<10000x128xf32, #tpu.memory_space<vmem_shared>>) offsets(%dma_start3A_326 : memref<80xi32, #tpu.memory_space<vmem>>) semaphore(%dma_start3A_331 : memref<!tpu.dma_semaphore, #tpu.memory_space<semaphore_mem>>) {add = true}
      %ge3A = arith.constant 2 : i32
      %ge3A_332 = arith.cmpi sge, %scan3A_302, %ge3A : i32
      %convert_element_type3A_333 = arith.extui %ge3A_332 : i1 to i32
      %cond3A_334 = arith.constant 0 : i32
      %cond3A_335 = arith.cmpi ne, %convert_element_type3A_333, %cond3A_334 : i32
      scf.if %cond3A_335 {
        %sub3A = arith.constant 2 : i32
        %sub3A_349 = arith.subi %scan3A_302, %sub3A : i32
        %sub3A_350 = arith.constant 2 : i32
        %sub3A_351 = arith.subi %scan3A_302, %sub3A_350 : i32
        %rem3A_352 = arith.constant 4 : i32
        %rem3A_353 = arith.remsi %sub3A_351, %rem3A_352 : i32
        %rem3A_354 = arith.constant 8 : i32
        %rem3A_355 = arith.remsi %sub3A_349, %rem3A_354 : i32
        %dma_wait3A_356 = arith.constant 0 : i32
        %dma_wait3A_357 = arith.constant 0 : i32
        %dma_wait3A_358 = tpu.memref_slice %arg9[%rem3A_353, %dma_wait3A_356, %dma_wait3A_357] : memref<4x80x128xf32, #tpu.memory_space<vmem>> -> memref<1x80x128xf32, #tpu.memory_space<vmem>>
        %dma_wait3A_359 = tpu.memref_squeeze %dma_wait3A_358 : memref<1x80x128xf32, #tpu.memory_space<vmem>> -> memref<80x128xf32, #tpu.memory_space<vmem>>
        %dma_wait3A_360 = arith.constant 0 : i32
        %dma_wait3A_361 = tpu.memref_slice %arg8[%rem3A_355, %dma_wait3A_360] : memref<8x80xi32, #tpu.memory_space<vmem>> -> memref<1x80xi32, #tpu.memory_space<vmem>>
        %dma_wait3A_362 = tpu.memref_squeeze %dma_wait3A_361 : memref<1x80xi32, #tpu.memory_space<vmem>> -> memref<80xi32, #tpu.memory_space<vmem>>
        %dma_wait3A_363 = arith.constant 0 : i32
        %dma_wait3A_364 = arith.constant 0 : i32
        %dma_wait3A_365 = tpu.memref_slice %arg6[%dma_wait3A_363, %dma_wait3A_364] : memref<10000x128xf32, #tpu.memory_space<vmem_shared>> -> memref<10000x128xf32, #tpu.memory_space<vmem_shared>>
        %dma_wait3A_366 = tpu.memref_slice %arg11[%rem3A_353] : memref<4x!tpu.dma_semaphore, #tpu.memory_space<semaphore_mem>> -> memref<1x!tpu.dma_semaphore, #tpu.memory_space<semaphore_mem>>
        %dma_wait3A_367 = tpu.memref_squeeze %dma_wait3A_366 : memref<1x!tpu.dma_semaphore, #tpu.memory_space<semaphore_mem>> -> memref<!tpu.dma_semaphore, #tpu.memory_space<semaphore_mem>>
        tpu.wait_indirect_dma semaphore(%dma_wait3A_367 : memref<!tpu.dma_semaphore, #tpu.memory_space<semaphore_mem>>) src(%dma_wait3A_359 : memref<80x128xf32, #tpu.memory_space<vmem>>) dst(%dma_wait3A_365 : memref<10000x128xf32, #tpu.memory_space<vmem_shared>>)
      } else {
      }
      %add3A_336 = arith.constant 6 : i32
      %add3A_337 = arith.addi %scan3A_302, %add3A_336 : i32
      %lt3A = arith.constant 125 : i32
      %lt3A_338 = arith.cmpi slt, %add3A_337, %lt3A : i32
      %convert_element_type3A_339 = arith.extui %lt3A_338 : i1 to i32
      %cond3A_340 = arith.constant 0 : i32
      %cond3A_341 = arith.cmpi ne, %convert_element_type3A_339, %cond3A_340 : i32
      scf.if %cond3A_341 {
        %add3A_349 = arith.constant 6 : i32
        %add3A_350 = arith.addi %scan3A_302, %add3A_349 : i32
        %rem3A_351 = arith.constant 8 : i32
        %rem3A_352 = arith.remsi %add3A_350, %rem3A_351 : i32
        %mul3A_353 = arith.constant 80 : i32
        %mul3A_354 = arith.muli %add3A_350, %mul3A_353 : i32
        %add3A_355 = arith.addi %mul3A_2, %mul3A_354 : i32
        %add3A_356 = arith.constant 160000 : i32
        %add3A_357 = arith.addi %add3A_356, %add3A_355 : i32
        %dma_start3A_358 = arith.constant 0 : i32
        %dma_start3A_359 = tpu.memref_slice %arg7[%rem3A_352, %dma_start3A_358] : memref<8x80xi32, #tpu.memory_space<vmem>> -> memref<1x80xi32, #tpu.memory_space<vmem>>
        %dma_start3A_360 = tpu.memref_squeeze %dma_start3A_359 : memref<1x80xi32, #tpu.memory_space<vmem>> -> memref<80xi32, #tpu.memory_space<vmem>>
        %dma_start3A_361 = tpu.memref_slice %arg3[%add3A_357] : memref<320000xi32, #tpu.memory_space<hbm>> -> memref<80xi32, #tpu.memory_space<hbm>>
        %dma_start3A_362 = tpu.memref_slice %arg12[%rem3A_352] : memref<8x!tpu.dma_semaphore, #tpu.memory_space<semaphore_mem>> -> memref<1x!tpu.dma_semaphore, #tpu.memory_space<semaphore_mem>>
        %dma_start3A_363 = tpu.memref_squeeze %dma_start3A_362 : memref<1x!tpu.dma_semaphore, #tpu.memory_space<semaphore_mem>> -> memref<!tpu.dma_semaphore, #tpu.memory_space<semaphore_mem>>
        %dma_start3A_364 = arith.constant 0 : i32
        %dma_start3A_365 = tpu.memref_slice %arg7[%rem3A_352, %dma_start3A_364] : memref<8x80xi32, #tpu.memory_space<vmem>> -> memref<1x80xi32, #tpu.memory_space<vmem>>
        %dma_start3A_366 = tpu.memref_squeeze %dma_start3A_365 : memref<1x80xi32, #tpu.memory_space<vmem>> -> memref<80xi32, #tpu.memory_space<vmem>>
        %dma_start3A_367 = tpu.memref_slice %arg3[%add3A_357] : memref<320000xi32, #tpu.memory_space<hbm>> -> memref<80xi32, #tpu.memory_space<hbm>>
        tpu.enqueue_dma source(%dma_start3A_367 : memref<80xi32, #tpu.memory_space<hbm>>) target(%dma_start3A_366 : memref<80xi32, #tpu.memory_space<vmem>>) target_semaphore(%dma_start3A_363 : memref<!tpu.dma_semaphore, #tpu.memory_space<semaphore_mem>>)
        %dma_start3A_368 = arith.constant 0 : i32
        %dma_start3A_369 = tpu.memref_slice %arg8[%rem3A_352, %dma_start3A_368] : memref<8x80xi32, #tpu.memory_space<vmem>> -> memref<1x80xi32, #tpu.memory_space<vmem>>
        %dma_start3A_370 = tpu.memref_squeeze %dma_start3A_369 : memref<1x80xi32, #tpu.memory_space<vmem>> -> memref<80xi32, #tpu.memory_space<vmem>>
        %dma_start3A_371 = tpu.memref_slice %arg3[%add3A_355] : memref<320000xi32, #tpu.memory_space<hbm>> -> memref<80xi32, #tpu.memory_space<hbm>>
        %dma_start3A_372 = tpu.memref_slice %arg13[%rem3A_352] : memref<8x!tpu.dma_semaphore, #tpu.memory_space<semaphore_mem>> -> memref<1x!tpu.dma_semaphore, #tpu.memory_space<semaphore_mem>>
        %dma_start3A_373 = tpu.memref_squeeze %dma_start3A_372 : memref<1x!tpu.dma_semaphore, #tpu.memory_space<semaphore_mem>> -> memref<!tpu.dma_semaphore, #tpu.memory_space<semaphore_mem>>
        %dma_start3A_374 = arith.constant 0 : i32
        %dma_start3A_375 = tpu.memref_slice %arg8[%rem3A_352, %dma_start3A_374] : memref<8x80xi32, #tpu.memory_space<vmem>> -> memref<1x80xi32, #tpu.memory_space<vmem>>
        %dma_start3A_376 = tpu.memref_squeeze %dma_start3A_375 : memref<1x80xi32, #tpu.memory_space<vmem>> -> memref<80xi32, #tpu.memory_space<vmem>>
        %dma_start3A_377 = tpu.memref_slice %arg3[%add3A_355] : memref<320000xi32, #tpu.memory_space<hbm>> -> memref<80xi32, #tpu.memory_space<hbm>>
        tpu.enqueue_dma source(%dma_start3A_377 : memref<80xi32, #tpu.memory_space<hbm>>) target(%dma_start3A_376 : memref<80xi32, #tpu.memory_space<vmem>>) target_semaphore(%dma_start3A_373 : memref<!tpu.dma_semaphore, #tpu.memory_space<semaphore_mem>>)
      } else {
      }
      %add3A_342 = arith.constant 2 : i32
      %add3A_343 = arith.addi %scan3A_302, %add3A_342 : i32
      %lt3A_344 = arith.constant 125 : i32
      %lt3A_345 = arith.cmpi slt, %add3A_343, %lt3A_344 : i32
      %convert_element_type3A_346 = arith.extui %lt3A_345 : i1 to i32
      %cond3A_347 = arith.constant 0 : i32
      %cond3A_348 = arith.cmpi ne, %convert_element_type3A_346, %cond3A_347 : i32
      scf.if %cond3A_348 {
        %add3A_349 = arith.constant 2 : i32
        %add3A_350 = arith.addi %scan3A_302, %add3A_349 : i32
        %rem3A_351 = arith.constant 8 : i32
        %rem3A_352 = arith.remsi %add3A_350, %rem3A_351 : i32
        %mul3A_353 = arith.constant 80 : i32
        %mul3A_354 = arith.muli %add3A_350, %mul3A_353 : i32
        %add3A_355 = arith.addi %mul3A_2, %mul3A_354 : i32
        %add3A_356 = arith.constant 160000 : i32
        %add3A_357 = arith.addi %add3A_356, %add3A_355 : i32
        %dma_wait3A_358 = arith.constant 0 : i32
        %dma_wait3A_359 = tpu.memref_slice %arg7[%rem3A_352, %dma_wait3A_358] : memref<8x80xi32, #tpu.memory_space<vmem>> -> memref<1x80xi32, #tpu.memory_space<vmem>>
        %dma_wait3A_360 = tpu.memref_squeeze %dma_wait3A_359 : memref<1x80xi32, #tpu.memory_space<vmem>> -> memref<80xi32, #tpu.memory_space<vmem>>
        %dma_wait3A_361 = tpu.memref_slice %arg3[%add3A_357] : memref<320000xi32, #tpu.memory_space<hbm>> -> memref<80xi32, #tpu.memory_space<hbm>>
        %dma_wait3A_362 = tpu.memref_slice %arg12[%rem3A_352] : memref<8x!tpu.dma_semaphore, #tpu.memory_space<semaphore_mem>> -> memref<1x!tpu.dma_semaphore, #tpu.memory_space<semaphore_mem>>
        %dma_wait3A_363 = tpu.memref_squeeze %dma_wait3A_362 : memref<1x!tpu.dma_semaphore, #tpu.memory_space<semaphore_mem>> -> memref<!tpu.dma_semaphore, #tpu.memory_space<semaphore_mem>>
        %dma_wait3A_364 = arith.constant 0 : i32
        %dma_wait3A_365 = tpu.memref_slice %arg7[%rem3A_352, %dma_wait3A_364] : memref<8x80xi32, #tpu.memory_space<vmem>> -> memref<1x80xi32, #tpu.memory_space<vmem>>
        %dma_wait3A_366 = tpu.memref_squeeze %dma_wait3A_365 : memref<1x80xi32, #tpu.memory_space<vmem>> -> memref<80xi32, #tpu.memory_space<vmem>>
        %dma_wait3A_367 = tpu.memref_slice %arg3[%add3A_357] : memref<320000xi32, #tpu.memory_space<hbm>> -> memref<80xi32, #tpu.memory_space<hbm>>
        tpu.wait_dma2 semaphore(%dma_wait3A_363 : memref<!tpu.dma_semaphore, #tpu.memory_space<semaphore_mem>>) src(%dma_wait3A_367 : memref<80xi32, #tpu.memory_space<hbm>>) dst(%dma_wait3A_366 : memref<80xi32, #tpu.memory_space<vmem>>)
        %dma_wait3A_368 = arith.constant 0 : i32
        %dma_wait3A_369 = tpu.memref_slice %arg8[%rem3A_352, %dma_wait3A_368] : memref<8x80xi32, #tpu.memory_space<vmem>> -> memref<1x80xi32, #tpu.memory_space<vmem>>
        %dma_wait3A_370 = tpu.memref_squeeze %dma_wait3A_369 : memref<1x80xi32, #tpu.memory_space<vmem>> -> memref<80xi32, #tpu.memory_space<vmem>>
        %dma_wait3A_371 = tpu.memref_slice %arg3[%add3A_355] : memref<320000xi32, #tpu.memory_space<hbm>> -> memref<80xi32, #tpu.memory_space<hbm>>
        %dma_wait3A_372 = tpu.memref_slice %arg13[%rem3A_352] : memref<8x!tpu.dma_semaphore, #tpu.memory_space<semaphore_mem>> -> memref<1x!tpu.dma_semaphore, #tpu.memory_space<semaphore_mem>>
        %dma_wait3A_373 = tpu.memref_squeeze %dma_wait3A_372 : memref<1x!tpu.dma_semaphore, #tpu.memory_space<semaphore_mem>> -> memref<!tpu.dma_semaphore, #tpu.memory_space<semaphore_mem>>
        %dma_wait3A_374 = arith.constant 0 : i32
        %dma_wait3A_375 = tpu.memref_slice %arg8[%rem3A_352, %dma_wait3A_374] : memref<8x80xi32, #tpu.memory_space<vmem>> -> memref<1x80xi32, #tpu.memory_space<vmem>>
        %dma_wait3A_376 = tpu.memref_squeeze %dma_wait3A_375 : memref<1x80xi32, #tpu.memory_space<vmem>> -> memref<80xi32, #tpu.memory_space<vmem>>
        %dma_wait3A_377 = tpu.memref_slice %arg3[%add3A_355] : memref<320000xi32, #tpu.memory_space<hbm>> -> memref<80xi32, #tpu.memory_space<hbm>>
        tpu.wait_dma2 semaphore(%dma_wait3A_373 : memref<!tpu.dma_semaphore, #tpu.memory_space<semaphore_mem>>) src(%dma_wait3A_377 : memref<80xi32, #tpu.memory_space<hbm>>) dst(%dma_wait3A_376 : memref<80xi32, #tpu.memory_space<vmem>>)
        %add3A_378 = arith.constant 2 : i32
        %add3A_379 = arith.addi %scan3A_302, %add3A_378 : i32
        %add3A_380 = arith.constant 2 : i32
        %add3A_381 = arith.addi %scan3A_302, %add3A_380 : i32
        %rem3A_382 = arith.constant 4 : i32
        %rem3A_383 = arith.remsi %add3A_381, %rem3A_382 : i32
        %rem3A_384 = arith.constant 8 : i32
        %rem3A_385 = arith.remsi %add3A_379, %rem3A_384 : i32
        %dma_start3A_386 = arith.constant 0 : i32
        %dma_start3A_387 = arith.constant 0 : i32
        %dma_start3A_388 = tpu.memref_slice %arg9[%rem3A_383, %dma_start3A_386, %dma_start3A_387] : memref<4x80x128xf32, #tpu.memory_space<vmem>> -> memref<1x80x128xf32, #tpu.memory_space<vmem>>
        %dma_start3A_389 = tpu.memref_squeeze %dma_start3A_388 : memref<1x80x128xf32, #tpu.memory_space<vmem>> -> memref<80x128xf32, #tpu.memory_space<vmem>>
        %dma_start3A_390 = arith.constant 0 : i32
        %dma_start3A_391 = tpu.memref_slice %arg7[%rem3A_385, %dma_start3A_390] : memref<8x80xi32, #tpu.memory_space<vmem>> -> memref<1x80xi32, #tpu.memory_space<vmem>>
        %dma_start3A_392 = tpu.memref_squeeze %dma_start3A_391 : memref<1x80xi32, #tpu.memory_space<vmem>> -> memref<80xi32, #tpu.memory_space<vmem>>
        %dma_start3A_393 = arith.constant 0 : i32
        %dma_start3A_394 = tpu.memref_slice %arg2[%dma_start3A_393, %mul3A_0] : memref<10000x256xf32, #tpu.memory_space<hbm>> -> memref<10000x128xf32, #tpu.memory_space<hbm>>
        %dma_start3A_395 = tpu.memref_slice %arg10[%rem3A_383] : memref<4x!tpu.dma_semaphore, #tpu.memory_space<semaphore_mem>> -> memref<1x!tpu.dma_semaphore, #tpu.memory_space<semaphore_mem>>
        %dma_start3A_396 = tpu.memref_squeeze %dma_start3A_395 : memref<1x!tpu.dma_semaphore, #tpu.memory_space<semaphore_mem>> -> memref<!tpu.dma_semaphore, #tpu.memory_space<semaphore_mem>>
        tpu.enqueue_indirect_dma source(%dma_start3A_394 : memref<10000x128xf32, #tpu.memory_space<hbm>>) target(%dma_start3A_389 : memref<80x128xf32, #tpu.memory_space<vmem>>) offsets(%dma_start3A_392 : memref<80xi32, #tpu.memory_space<vmem>>) semaphore(%dma_start3A_396 : memref<!tpu.dma_semaphore, #tpu.memory_space<semaphore_mem>>)
      } else {
      }
    }
    %scan3A_261 = arith.constant 125 : i32
    %rem3A_262 = arith.constant 123 : i32
    %rem3A_263 = arith.constant 8 : i32
    %rem3A_264 = arith.remsi %rem3A_262, %rem3A_263 : i32
    %dma_wait3A_265 = arith.constant 3 : i32
    %dma_wait3A_266 = arith.constant 3 : i32
    %dma_wait3A_267 = arith.constant 0 : i32
    %dma_wait3A_268 = arith.constant 0 : i32
    %dma_wait3A_269 = tpu.memref_slice %arg9[%dma_wait3A_265, %dma_wait3A_267, %dma_wait3A_268] : memref<4x80x128xf32, #tpu.memory_space<vmem>> -> memref<1x80x128xf32, #tpu.memory_space<vmem>>
    %dma_wait3A_270 = tpu.memref_squeeze %dma_wait3A_269 : memref<1x80x128xf32, #tpu.memory_space<vmem>> -> memref<80x128xf32, #tpu.memory_space<vmem>>
    %dma_wait3A_271 = arith.constant 0 : i32
    %dma_wait3A_272 = tpu.memref_slice %arg8[%rem3A_264, %dma_wait3A_271] : memref<8x80xi32, #tpu.memory_space<vmem>> -> memref<1x80xi32, #tpu.memory_space<vmem>>
    %dma_wait3A_273 = tpu.memref_squeeze %dma_wait3A_272 : memref<1x80xi32, #tpu.memory_space<vmem>> -> memref<80xi32, #tpu.memory_space<vmem>>
    %dma_wait3A_274 = arith.constant 0 : i32
    %dma_wait3A_275 = arith.constant 0 : i32
    %dma_wait3A_276 = tpu.memref_slice %arg6[%dma_wait3A_274, %dma_wait3A_275] : memref<10000x128xf32, #tpu.memory_space<vmem_shared>> -> memref<10000x128xf32, #tpu.memory_space<vmem_shared>>
    %dma_wait3A_277 = tpu.memref_slice %arg11[%dma_wait3A_266] : memref<4x!tpu.dma_semaphore, #tpu.memory_space<semaphore_mem>> -> memref<1x!tpu.dma_semaphore, #tpu.memory_space<semaphore_mem>>
    %dma_wait3A_278 = tpu.memref_squeeze %dma_wait3A_277 : memref<1x!tpu.dma_semaphore, #tpu.memory_space<semaphore_mem>> -> memref<!tpu.dma_semaphore, #tpu.memory_space<semaphore_mem>>
    tpu.wait_indirect_dma semaphore(%dma_wait3A_278 : memref<!tpu.dma_semaphore, #tpu.memory_space<semaphore_mem>>) src(%dma_wait3A_270 : memref<80x128xf32, #tpu.memory_space<vmem>>) dst(%dma_wait3A_276 : memref<10000x128xf32, #tpu.memory_space<vmem_shared>>)
    %rem3A_279 = arith.constant 124 : i32
    %rem3A_280 = arith.constant 8 : i32
    %rem3A_281 = arith.remsi %rem3A_279, %rem3A_280 : i32
    %dma_wait3A_282 = arith.constant 0 : i32
    %dma_wait3A_283 = arith.constant 0 : i32
    %dma_wait3A_284 = arith.constant 0 : i32
    %dma_wait3A_285 = arith.constant 0 : i32
    %dma_wait3A_286 = tpu.memref_slice %arg9[%dma_wait3A_282, %dma_wait3A_284, %dma_wait3A_285] : memref<4x80x128xf32, #tpu.memory_space<vmem>> -> memref<1x80x128xf32, #tpu.memory_space<vmem>>
    %dma_wait3A_287 = tpu.memref_squeeze %dma_wait3A_286 : memref<1x80x128xf32, #tpu.memory_space<vmem>> -> memref<80x128xf32, #tpu.memory_space<vmem>>
    %dma_wait3A_288 = arith.constant 0 : i32
    %dma_wait3A_289 = tpu.memref_slice %arg8[%rem3A_281, %dma_wait3A_288] : memref<8x80xi32, #tpu.memory_space<vmem>> -> memref<1x80xi32, #tpu.memory_space<vmem>>
    %dma_wait3A_290 = tpu.memref_squeeze %dma_wait3A_289 : memref<1x80xi32, #tpu.memory_space<vmem>> -> memref<80xi32, #tpu.memory_space<vmem>>
    %dma_wait3A_291 = arith.constant 0 : i32
    %dma_wait3A_292 = arith.constant 0 : i32
    %dma_wait3A_293 = tpu.memref_slice %arg6[%dma_wait3A_291, %dma_wait3A_292] : memref<10000x128xf32, #tpu.memory_space<vmem_shared>> -> memref<10000x128xf32, #tpu.memory_space<vmem_shared>>
    %dma_wait3A_294 = tpu.memref_slice %arg11[%dma_wait3A_283] : memref<4x!tpu.dma_semaphore, #tpu.memory_space<semaphore_mem>> -> memref<1x!tpu.dma_semaphore, #tpu.memory_space<semaphore_mem>>
    %dma_wait3A_295 = tpu.memref_squeeze %dma_wait3A_294 : memref<1x!tpu.dma_semaphore, #tpu.memory_space<semaphore_mem>> -> memref<!tpu.dma_semaphore, #tpu.memory_space<semaphore_mem>>
    tpu.wait_indirect_dma semaphore(%dma_wait3A_295 : memref<!tpu.dma_semaphore, #tpu.memory_space<semaphore_mem>>) src(%dma_wait3A_287 : memref<80x128xf32, #tpu.memory_space<vmem>>) dst(%dma_wait3A_293 : memref<10000x128xf32, #tpu.memory_space<vmem_shared>>)
    %barrier3A_296 = arith.constant 0 : index
    tpu.barrier barrier_id(%barrier3A_296)
    "tpu.region"() ({
      %run_scoped3A = tpu.sem_alloc : memref<!tpu.dma_semaphore, #tpu.memory_space<semaphore_mem>>
      %dma_start3A_302 = tpu.memref_slice %arg5[%mul3A_248, %mul3A_0] : memref<10000x256xf32, #tpu.memory_space<hbm>> -> memref<624x128xf32, #tpu.memory_space<hbm>>
      %dma_start3A_303 = arith.constant 0 : i32
      %dma_start3A_304 = tpu.memref_slice %arg6[%mul3A_248, %dma_start3A_303] : memref<10000x128xf32, #tpu.memory_space<vmem_shared>> -> memref<624x128xf32, #tpu.memory_space<vmem_shared>>
      tpu.enqueue_dma source(%dma_start3A_304 : memref<624x128xf32, #tpu.memory_space<vmem_shared>>) target(%dma_start3A_302 : memref<624x128xf32, #tpu.memory_space<hbm>>) target_semaphore(%run_scoped3A : memref<!tpu.dma_semaphore, #tpu.memory_space<semaphore_mem>>)
      %dma_wait3A_305 = tpu.memref_slice %arg5[%mul3A_248, %mul3A_0] : memref<10000x256xf32, #tpu.memory_space<hbm>> -> memref<624x128xf32, #tpu.memory_space<hbm>>
      %dma_wait3A_306 = arith.constant 0 : i32
      %dma_wait3A_307 = tpu.memref_slice %arg6[%mul3A_248, %dma_wait3A_306] : memref<10000x128xf32, #tpu.memory_space<vmem_shared>> -> memref<624x128xf32, #tpu.memory_space<vmem_shared>>
      tpu.wait_dma2 semaphore(%run_scoped3A : memref<!tpu.dma_semaphore, #tpu.memory_space<semaphore_mem>>) src(%dma_wait3A_307 : memref<624x128xf32, #tpu.memory_space<vmem_shared>>) dst(%dma_wait3A_305 : memref<624x128xf32, #tpu.memory_space<hbm>>)
      tpu.yield
    }) : () -> ()
    %eq3A_297 = arith.constant 0 : i32
    %eq3A_298 = arith.cmpi eq, %arg1, %eq3A_297 : i32
    %convert_element_type3A_299 = arith.extui %eq3A_298 : i1 to i32
    %cond3A_300 = arith.constant 0 : i32
    %cond3A_301 = arith.cmpi ne, %convert_element_type3A_299, %cond3A_300 : i32
    scf.if %cond3A_301 {
      "tpu.region"() ({
        %run_scoped3A = tpu.sem_alloc : memref<!tpu.dma_semaphore, #tpu.memory_space<semaphore_mem>>
        %dma_start3A_302 = arith.constant 9984 : i32
        %dma_start3A_303 = tpu.memref_slice %arg5[%dma_start3A_302, %mul3A_0] : memref<10000x256xf32, #tpu.memory_space<hbm>> -> memref<16x128xf32, #tpu.memory_space<hbm>>
        %dma_start3A_304 = arith.constant 9984 : i32
        %dma_start3A_305 = arith.constant 0 : i32
        %dma_start3A_306 = tpu.memref_slice %arg6[%dma_start3A_304, %dma_start3A_305] : memref<10000x128xf32, #tpu.memory_space<vmem_shared>> -> memref<16x128xf32, #tpu.memory_space<vmem_shared>>
        tpu.enqueue_dma source(%dma_start3A_306 : memref<16x128xf32, #tpu.memory_space<vmem_shared>>) target(%dma_start3A_303 : memref<16x128xf32, #tpu.memory_space<hbm>>) target_semaphore(%run_scoped3A : memref<!tpu.dma_semaphore, #tpu.memory_space<semaphore_mem>>)
        %dma_wait3A_307 = arith.constant 9984 : i32
        %dma_wait3A_308 = tpu.memref_slice %arg5[%dma_wait3A_307, %mul3A_0] : memref<10000x256xf32, #tpu.memory_space<hbm>> -> memref<16x128xf32, #tpu.memory_space<hbm>>
        %dma_wait3A_309 = arith.constant 9984 : i32
        %dma_wait3A_310 = arith.constant 0 : i32
        %dma_wait3A_311 = tpu.memref_slice %arg6[%dma_wait3A_309, %dma_wait3A_310] : memref<10000x128xf32, #tpu.memory_space<vmem_shared>> -> memref<16x128xf32, #tpu.memory_space<vmem_shared>>
        tpu.wait_dma2 semaphore(%run_scoped3A : memref<!tpu.dma_semaphore, #tpu.memory_space<semaphore_mem>>) src(%dma_wait3A_311 : memref<16x128xf32, #tpu.memory_space<vmem_shared>>) dst(%dma_wait3A_308 : memref<16x128xf32, #tpu.memory_space<hbm>>)
        tpu.yield
      }) : () -> ()
    } else {
    }
    return
  }
}

</mosaic_0001>

<sc_bundles>
// kernel: kernel.3.cloned.1.call-start
scs
__scs_entry_jumppad:
0x0: {  	(pc) =	sbr.rel $0x88, $3  }
0x1: {  	(tag) =	ssettag $0x0;
	lr =	simm.s32 $0x1  }
0x2: {  	[smem:$0x3F9F] =	sst lr;
	_ =	strace $0xD0000000  }
0x3: {  	_ = 	snop  }
0x4: {  	_ = 	snop  }
0x5: {  	_ = 	snop  }
0x6: {  	_ = 	snop  }
0x7: {  	_ = 	snop  }
__scs_overlays_trampoline_lowered:
0x8: {  	[smem:$0x3FAE] =	sst s0  }
0x9: {  	[smem:$0x3FAF] =	sst s1  }
0xa: {  	[smem:$0x3FB0] =	sst s2  }
0xb: {  	[smem:$0x3FB1] =	sst s3  }
0xc: {  	[smem:$0x3FB2] =	sst s4  }
0xd: {  	[smem:$0x3FB3] =	sst s5  }
0xe: {  	[smem:$0x3FB4] =	sst s6  }
0xf: {  	[smem:$0x3FB5] =	sst s7  }
0x10: {  	[smem:$0x3FB6] =	sst s8  }
0x11: {  	[smem:$0x3FB7] =	sst s9;
	s0 =	simm.s32 @!p0 $0x0  }
0x12: {  	s1 =	sld [smem:$0x3F9D];
	s0 =	simm.s32 @p0 $0x1  }
0x13: {  	[smem:$0x3FB8] =	sst s0;
	s0 =	simm.s32 @!p1 $0x0  }
0x14: {  	s2 =	sld [smem:$0x3F9C];
	s0 =	simm.s32 @p1 $0x1  }
0x15: {  	[smem:$0x3FB9] =	sst s0;
	s0 =	simm.s32 @!p2 $0x0  }
0x16: {  	s3 =	sld [smem:$0x3FDB];
	s0 =	simm.s32 @p2 $0x1  }
0x17: {  	s4 =	simm.s32 $0x1BF5;
	[smem:$0x3FBB] =	sst s0  }
0x18: {  	s0 =	sld [smem:$0x3F9E];
	_ =	swait.ge [sflag:s4], $0x0  }
0x19: {  	s7 =	sld [smem:$0x3F9F]  }
0x1a: {  	s8 =	sadd.s32 $0xFFFFE003, lr  }
0x1b: {  	s9 =	sadd.s32 $0xFFFFFEF7, lr;
	s5 =	simm.s32 $0xFFFFFFFF;
	p2 =	slt.u32 s8, $0xFFFFF086  }
0x1c: {  	p1 =	slt.u32 s9, $0xF7A;
	s5 =	simm.s32 @!p2 $0x0  }
0x1d: {  	s5 =	simm.s32 @p1 $0x1;
	p0 =	seq.s32 s7, s2  }
0x1e: {  	s7 =	smul.u32 @!p0 $0xF7A, s2;
	p2 =	seq.s32 @!p0 s5, $0x0  }
0x1f: {  	s9 =	smul.u32 $0xF7A, s1;
	s8 =	simm.s32 @!p0 $0x1BF5;
	p2 =	por !p2, p0  }
0x20: {  	[sflag:s8] =	ssyncset.s32 @!p0 $0xFFFFF086;
	s6 =	sadd.s32 @!p0 s3, s7;
	s7 =	simm.s32 @!p0 $0x108  }
0x21: {  	s3 =	sadd.s32 s3, s9;
	s6 =	sadd.s32 @!p0 $0x88, s6;
	s7 =	simm.s32 @p2 $0x1082  }
0x22: {  	[simem:s7], [sflag:s8] =	dma.local @!p0 [hbm:s6], $0xF7A  }
0x23: {  	s9 =	sor.u32 $0xD0000000, s2;
	s6 =	simm.s32 $0x108;
	_ =	swait.ge @!p0 [sflag:s8], $0x0  }
0x24: {  	s3 =	sadd.s32 $0x88, s3;
	s6 =	simm.s32 @!p1 $0x1082;
	[sflag:s4] =	ssyncset.s32 $0xFFFFF086  }
0x25: {  	[simem:s6], [sflag:s4] =	dma.local [hbm:s3], $0xF7A  }
0x26: {  	[smem:$0x3F9F] =	sst s1;
	(tag) =	ssettag s2;
	_ =	strace s9  }
0x27: {  	s1 =	sld [smem:$0x3FAF]  }
0x28: {  	s2 =	sld [smem:$0x3FB0]  }
0x29: {  	s4 =	sld [smem:$0x3FB2]  }
0x2a: {  	p0 =	seq.s32 s5, $0x0;
	s5 =	sld [smem:$0x3FB3]  }
0x2b: {  	s6 =	sld [smem:$0x3FB4]  }
0x2c: {  	s7 =	sld [smem:$0x3FB5]  }
0x2d: {  	s3 =	simm.s32 $0x108;
	s8 =	sld [smem:$0x3FB6]  }
0x2e: {  	s3 =	simm.s32 @!p0 $0x1082;
	s9 =	sld [smem:$0x3FB7]  }
0x2f: {  	lr =	sadd.s32 s0, s3;
	s0 =	sld [smem:$0x3FAE]  }
0x30: {  	s3 =	sld [smem:$0x3FB1]  }
0x31: {  	[smem:$0x3FBA] =	sst s10  }
0x32: {  	s10 =	sld [smem:$0x3FB8];
	_ =	sdelay $0x3  }
0x33: {  	p0 =	seq.s32 s10, $0x1;
	s10 =	sld [smem:$0x3FBA];
	_ =	sdelay $0x3  }
0x34: {  	[smem:$0x3FBA] =	sst s10  }
0x35: {  	s10 =	sld [smem:$0x3FB9];
	_ =	sdelay $0x3  }
0x36: {  	p1 =	seq.s32 s10, $0x1;
	s10 =	sld [smem:$0x3FBA];
	_ =	sdelay $0x3  }
0x37: {  	[smem:$0x3FBA] =	sst s10  }
0x38: {  	s10 =	sld [smem:$0x3FBB]  }
0x39: {  	_ = 	snop;
	(pc) =	sbr.ind lr, $3  }
0x3a: {  	_ = 	snop  }
0x3b: {  	_ = 	snop  }
0x3c: {  	p2 =	seq.s32 s10, $0x1;
	s10 =	sld [smem:$0x3FBA]  }
0x3d: {  	_ =	shalt  }
0x3e: {  	_ =	shalt  }
0x3f: {  	_ =	shalt  }
0x40: {  	_ =	shalt  }
0x41: {  	_ =	shalt  }
0x42: {  	_ =	shalt  }
0x43: {  	_ =	shalt  }
0x44: {  	_ =	shalt  }
0x45: {  	_ =	shalt  }
0x46: {  	_ =	shalt  }
0x47: {  	_ =	shalt  }
0x48: {  	_ =	shalt  }
0x49: {  	_ =	shalt  }
0x4a: {  	_ =	shalt  }
0x4b: {  	_ =	shalt  }
0x4c: {  	_ =	shalt  }
0x4d: {  	_ =	shalt  }
0x4e: {  	_ =	shalt  }
0x4f: {  	_ =	shalt  }
0x50: {  	_ =	shalt  }
0x51: {  	_ =	shalt  }
0x52: {  	_ =	shalt  }
0x53: {  	_ =	shalt  }
0x54: {  	_ =	shalt  }
0x55: {  	_ =	shalt  }
0x56: {  	_ =	shalt  }
0x57: {  	_ =	shalt  }
0x58: {  	_ =	shalt  }
0x59: {  	_ =	shalt  }
0x5a: {  	_ =	shalt  }
0x5b: {  	_ =	shalt  }
0x5c: {  	_ =	shalt  }
0x5d: {  	_ =	shalt  }
0x5e: {  	_ =	shalt  }
0x5f: {  	_ =	shalt  }
0x60: {  	_ =	shalt  }
0x61: {  	_ =	shalt  }
0x62: {  	_ =	shalt  }
0x63: {  	_ =	shalt  }
0x64: {  	_ =	shalt  }
0x65: {  	_ =	shalt  }
0x66: {  	_ =	shalt  }
0x67: {  	_ =	shalt  }
0x68: {  	_ =	shalt  }
0x69: {  	_ =	shalt  }
0x6a: {  	_ =	shalt  }
0x6b: {  	_ =	shalt  }
0x6c: {  	_ =	shalt  }
0x6d: {  	_ =	shalt  }
0x6e: {  	_ =	shalt  }
0x6f: {  	_ =	shalt  }
0x70: {  	_ =	shalt  }
0x71: {  	_ =	shalt  }
0x72: {  	_ =	shalt  }
0x73: {  	_ =	shalt  }
0x74: {  	_ =	shalt  }
0x75: {  	_ =	shalt  }
0x76: {  	_ =	shalt  }
0x77: {  	_ =	shalt  }
0x78: {  	_ =	shalt  }
0x79: {  	_ =	shalt  }
0x7a: {  	_ =	shalt  }
0x7b: {  	_ =	shalt  }
0x7c: {  	_ =	shalt  }
0x7d: {  	_ =	shalt  }
0x7e: {  	_ =	shalt  }
0x7f: {  	_ =	shalt  }
0x80: {  	_ =	shalt  }
0x81: {  	_ =	shalt  }
0x82: {  	_ =	shalt  }
0x83: {  	_ =	shalt  }
0x84: {  	_ =	shalt  }
0x85: {  	_ =	shalt  }
0x86: {  	_ =	shalt  }
0x87: {  	_ =	shalt  }
.Lfunc_end0:
.L_simem_size_0:
called_computation_lowered:
.L_overlay_start_0:
0x88: {  	s2 =	sld [smem:$0x3FD9]  }
0x89: {  	s3 =	sld [smem:$0x3FFE];
	_ =	sdelay $0x1  }
0x8a: {  	s1 =	srdreg.scid  }
0x8b: {  	s0 =	sand.u32 $0x1, s1  }
0x8c: {  	s17 =	sshll.u32 s0, $0xA;
	s2 =	sadd.s32 s3, s2  }
0x8d: {  	s2 =	sadd.s32 s2, s17  }
0x8e: {  	[smem:$0x3FC6] =	sst s2  }
0x8f: {  	_ = 	snop  }
0x90: {  	s2 =	sld [smem:$0x3FC9]  }
0x91: {  	s18 =	sld [smem:$0x3FD0];
	(tm) =	ssettm $0x1  }
0x92: {  	s4 =	sld [smem:$0x3FFB];
	_ =	sdelay $0x3  }
0x93: {  	_ =	strace s4  }
0x94: {  	s4 =	sld [smem:$0x3FFC];
	_ =	sdelay $0x3  }
0x95: {  	_ =	strace s4  }
0x96: {  	s4 =	sld [smem:$0x3FFD];
	_ =	sdelay $0x3  }
0x97: {  	_ =	strace s4  }
0x98: {  	_ =	strace $0x8FFFFFFF  }
0x99: {  	s19 =	sld [smem:$0x3FDB];
	_ =	sdelay $0x1  }
0x9a: {  	s5 =	simm.s32 $_scs_section_size  }
0x9b: {  	s6 =	simm.s32 $_size__tile_overlayer_lowered;
	s7 =	simm.s32 $_tile_overlayer_lowered  }
0x9c: {  	s22 =	simm.s32 $0x1BFF;
	s21 =	sshll.u32 s7, $0x1;
	s4 =	sadd.s32 s5, s19  }
0x9d: {  	s8 =	simm.s32 $0x0;
	s20 =	sshll.u32 s6, $0x1;
	s6 =	sadd.s32 s21, s4  }
0x9e: {  	[timem:s8], [sflag:s22] =	dma.local [hbm:s6], s20  }
0x9f: {  	_ =	swait.ge [sflag:s22], s20  }
0xa0: {  	s5 =	ssub.s32 $0x0, s20;
	[sflag:s22] =	ssyncset.done $0x0  }
0xa1: {  	[sflag:s22] =	ssyncadd.s32 s5;
	_ =	sdelay $0x1  }
0xa2: {  	s23 =	simm.s32 $0x1B8B  }
0xa3: {  	_ =	swait.ge [sflag:s23], $0x1  }
0xa4: {  	[sflag:s23] =	ssyncset.done $0x0  }
0xa5: {  	s25 =	simm.s32 $0x1B8E;
	s24 =	sld [smem:$0x3FFE];
	[sflag:s23] =	ssyncadd.s32 $0xFFFFFFFF  }
0xa6: {  	s26 =	simm.s32 $execute0_lowered;
	[smem:$0x3FD2] =	sst s25  }
0xa7: {  	s6 =	sshll.u32 s26, $0x1;
	_ =	strace $0x80000046;
	[dreg:$0x1] =	wrdreg $0xFFFFFFFF  }
0xa8: {  	s28 =	simm.s32 $_size_execute0_lowered;
	s4 =	sadd.s32 s4, s6;
	[dreg:$0x0] =	wrdreg $0x0  }
0xa9: {  	s6 =	sshll.u32 s28, $0x1;
	[dreg:$0x2] =	wrdreg s4  }
0xaa: {  	[dreg:$0x3] =	wrdreg s6  }
0xab: {  	[dreg:$0x4] =	wrdreg $0xC0  }
0xac: {  	_ =	task [dreg:s8], $0x5FFFF  }
0xad: {  	[dreg:$0x1] =	wrdreg $0xFFFFFFFF  }
0xae: {  	[dreg:$0x0] =	wrdreg $0x60  }
0xaf: {  	[dreg:$0x2] =	wrdreg s2  }
0xb0: {  	[dreg:$0x3] =	wrdreg s24  }
0xb1: {  	[dreg:$0x4] =	wrdreg s18  }
0xb2: {  	[dreg:$0x5] =	wrdreg $0x0  }
0xb3: {  	[dreg:$0x6] =	wrdreg $0x9  }
0xb4: {  	_ =	task.clear_ibuf [dreg:s8], $0x7FFFF;
	_ =	strace $0x90000046  }
0xb5: {  	s29 =	simm.s32 $0x9;
	_ =	strace $0x80000048  }
0xb6: {  	_ =	swait.ge [sflag:s29], $0x1  }
0xb7: {  	[sflag:s29] =	ssyncadd.s32 $0xFFFFFFFF  }
0xb8: {  	_ =	strace $0x90000048  }
0xb9: {  	_ =	sfence  }
0xba: {  	s30 =	sld [smem:$0x0];
	_ =	sdelay $0x2  }
0xbb: {  	s31 =	sshll.u32 s1, $0xD;
	s1 =	sshrl.u32 s1, $0x2  }
0xbc: {  	s3 =	sand.u32 $0x4000, s31;
	s1 =	sadd.s32 s1, s30  }
0xbd: {  	s0 =	sor.u32 s3, s0;
	s1 =	sshll.u32 s1, $0x11  }
0xbe: {  	s0 =	sor.u32 s1, s0  }
0xbf: {  	s0 =	sadd.s32 $0x8F2B, s0  }
0xc0: {  	[sflag:s0] =	ssyncadd.remote.s32 $0x1  }
0xc1: {  	_ =	sfence.sel $0xFFFF  }
0xc2: {  	[dreg:$0x0] =	wrdreg $0xFFFFFFFF;
	(pc) =	sbr.abs _section_cstart, $3  }
0xc3: {  	[dreg:$0x1] =	wrdreg $0xFFFFFFFF  }
0xc4: {  	_ =	task.clear_ibuf [dreg:s8], $0x2FFFF;
	_ =	strace $0x9FFFFFFF  }
0xc5: {  	(tm) =	ssettm $0x7FFFFFFF  }
tec
execute0_lowered:
.L_overlay_start_1:
0x0: {  	(tag) =	ssettag $0x1  }
0x1: {  	s0 =	rddreg [dreg:$0x0]  }
0x2: {  	s3 =	rddreg [dreg:$0x1]  }
0x3: {  	s6 =	rddreg [dreg:$0x2]  }
0x4: {  	s1 =	rddreg [dreg:$0x3]  }
0x5: {  	s2 =	simm.s32 $0x0;
	s4 =	srdreg.scid;
	s13 =	stileid.u32  }
0x6: {  	s28 =	simm.s32 $0x11;
	s29 =	simm.s32 $0xA;
	s30 =	simm.s32 $0x12  }
0x7: {  	s31 =	simm.s32 $0x8;
	[smem:$0x7FF] =	sst s2;
	s21 =	smul.u32 $0x2710, s13  }
0x8: {  	s7 =	sand.u32 $0x1, s4;
	s8 =	sadd.s32 $0x400, s3;
	s14 =	smul.u32 $0x4E000, s13  }
0x9: {  	s4 =	sadd.s32 $0xA200, s3;
	s16 =	smul.u32 $0x27000, s13;
	s5 =	ssub.s32 $0x2, s7  }
0xa: {  	p0 =	sne.s32 s13, $0x0;
	s9 =	sshrl.u32 s5, $0x1;
	s10 =	sshrl.u32 s21, $0x3  }
0xb: {  	_ =	strace $0x80000047;
	s3 =	ssub.s32 s5, s9;
	s5 =	sadd.s32 s8, s10  }
0xc: {  	s18 =	sshll.u32 s7, $0xA;
	s7 =	sshll.u32 s7, $0x7;
	s22 =	sadd.s32 $0x4E20, s5  }
0xd: {  	s17 =	sadd.s32 s0, s7;
	s23 =	sadd.s32 $0x4E2A, s5;
	[dreg:$0x5] =	wrdreg s22  }
0xe: {  	s19 =	sshrl.u32 s14, $0x2;
	s24 =	sadd.s32 $0xA, s5;
	[dreg:$0x6] =	wrdreg s23  }
0xf: {  	s20 =	sor.u32 s18, s16;
	s25 =	sadd.s32 $0x4E34, s5;
	[dreg:$0x7] =	wrdreg s24  }
0x10: {  	s18 =	sadd.s32 s19, s1;
	s26 =	sadd.s32 $0x14, s5;
	[dreg:$0x8] =	wrdreg s25  }
0x11: {  	s21 =	sshrl.u32 s20, $0x3;
	s10 =	sadd.s32 $0x4E3E, s5;
	[dreg:$0x9] =	wrdreg s26  }
0x12: {  	s20 =	sadd.s32 $0x138000, s1;
	s11 =	sadd.s32 $0x1E, s5;
	[dreg:$0xa] =	wrdreg s10  }
0x13: {  	s12 =	sadd.s32 $0x4E48, s5;
	s15 =	sadd.s32 $0x4E52, s5;
	[dreg:$0xb] =	wrdreg s11  }
0x14: {  	s0 =	sadd.s32 s6, s21;
	[dreg:$0xc] =	wrdreg s12;
	s10 =	sadd.s32 $0x28, s5  }
0x15: {  	v0 =	vimm.s32 $0x7;
	[dreg:$0xe] =	wrdreg s15;
	s11 =	sadd.s32 $0x32, s5;
	s22 =	smul.u32 $0x4E2, s13  }
0x16: {  	v1 =	vimm.s32 $0x1;
	v2 =	vimm.s32 $0x0;
	v3 =	vlaneseq.u32;
	s23 =	sadd.s32 $0x6800, s18;
	[dreg:$0x10] =	wrdreg s0;
	s24 =	sadd.s32 s7, s6  }
.Ltmp0:
0x17: {  	vm0 =	vmmov $0x1;
	v4 =	vimm.s32 $0x2;
	v5 =	vimm.s32 $0x3;
	s25 =	sadd.s32 $0xD000, s18;
	s0 =	simm.s32 $0x19;
	(pc) =	sbr.rel .LBB2_1-.Ltmp0, $4  }
0x18: {  	v6 =	vimm.s32 $0x4;
	v7 =	vimm.s32 $0x5;
	v8 =	vimm.s32 $0x6;
	s6 =	simm.s32 $0x5;
	s7 =	simm.s32 $0x0;
	[dreg:$0xd] =	wrdreg s10  }
0x19: {  	v9 =	vimm.s32 $0x8;
	v10 =	vimm.s32 $0x9;
	v11 =	vimm.s32 $0xA;
	[dreg:$0xf] =	wrdreg s11;
	s21 =	sadd.s32 $0x4E000, s24;
	s24 =	sshrl.u32 s23, $0x3  }
0x1a: {  	v12 =	vimm.s32 $0xB;
	v13 =	vimm.s32 $0xC;
	v14 =	vimm.s32 $0xD;
	s25 =	sshrl.u32 s25, $0x3;
	s26 =	sadd.s32 s22, s8;
	s22 =	smax.u32 s3, $0x1  }
0x1b: {  	v15 =	vimm.s32 $0xE;
	v16 =	vimm.s32 $0xF;
	v3 =	vmul.u32 $0x8, v3;
	s3 =	simm.s32 $0x50;
	s12 =	sadd.s32 $0x4E5C, s26;
	s26 =	simm.s32 $0x9  }
.LBB2_7:
0x1c: {  	_ =	swait.ge [sflag:s31], $0x2800  }
0x1d: {  	[sflag:s31] =	ssyncset.done $0x0  }
0x1e: {  	[sflag:s31] =	ssyncadd.s32 $0xFFFFD800  }
0x1f: {  	_ =	swait.ge [sflag:s6], $0x2800  }
0x20: {  	[sflag:s6] =	ssyncset.done $0x0  }
0x21: {  	[sflag:s6] =	ssyncadd.s32 $0xFFFFD800  }
0x22: {  	[bflag:$0x0] =	sbarrier.arrive $0xFFFF  }
0x23: {  	s13 =	simm.s32 $0x100;
	s14 =	simm.s32 $0x80;
	s11 =	rddreg [dreg:$0x10]  }
0x24: {  	[hbm:s11@s13], [sflag:s8] =	dma.strided [spmem:s9@s14], $0x2700, s31, $0x10   }
0x25: {  	s7 =	sadd.s32 $0x1, s7;
	_ =	swait.ge [sflag:s0], $0x2700  }
0x26: {  	p1 =	sne.s32 s7, s22;
	s9 =	simm.s32 @!p0 $0x8;
	[sflag:s0] =	ssyncset.done $0x0  }
0x27: {  	s11 =	simm.s32 @!p0 $0x100;
	s13 =	simm.s32 @!p0 $0x80;
	[sflag:s0] =	ssyncadd.s32 $0xFFFFD900  }
0x28: {  	[hbm:s21@s11], [sflag:s8] =	dma.strided @!p0 [spmem:s10@s13], $0x100, s9, $0x10   }
.Ltmp1:
0x29: {  	_ = 	snop;
	(pc) =	sbr.rel @!p1 .LBB2_8-.Ltmp1, $4  }
0x2a: {  	s8 =	simm.s32 @!p0 $0x19  }
0x2b: {  	_ =	swait.ge @!p0 [sflag:s8], $0x100  }
0x2c: {  	[sflag:s8] =	ssyncset.done @!p0 $0x0  }
0x2d: {  	[sflag:s8] =	ssyncadd.s32 @!p0 $0xFFFFFF00  }
.LBB2_1:
0x2e: {  	s8 =	rddreg [dreg:$0x5];
	s9 =	simm.s32 $0x13880  }
0x2f: {  	[tilespmem:s9], [sflag:$0x9] =	stream.linear.gather [hbm4b:s8+s2], $0x50, $0x38;
	[tilespmem:$0x1E080] =	vst v63  }
0x30: {  	s14 =	simm.s32 $0x13C80  }
0x31: {  	[tilespmem:s14], [sflag:$0x11] =	stream.linear.gather [hbm4b:s5+s2], $0x50, $0x38;
	[tilespmem:$0x1E080] =	vst v63  }
0x32: {  	s15 =	rddreg [dreg:$0x6];
	s16 =	simm.s32 $0x13900  }
0x33: {  	[tilespmem:s16], [sflag:$0xA] =	stream.linear.gather [hbm4b:s15+s2], $0x50, $0x38;
	[tilespmem:$0x1E080] =	vst v63  }
0x34: {  	s19 =	rddreg [dreg:$0x7];
	s23 =	simm.s32 $0x13D00  }
0x35: {  	[tilespmem:s23], [sflag:$0x12] =	stream.linear.gather [hbm4b:s19+s2], $0x50, $0x38;
	[tilespmem:$0x1E080] =	vst v63  }
0x36: {  	s10 =	rddreg [dreg:$0x8];
	s11 =	simm.s32 $0x13980  }
0x37: {  	[tilespmem:s11], [sflag:$0xB] =	stream.linear.gather [hbm4b:s10+s2], $0x50, $0x38;
	[tilespmem:$0x1E080] =	vst v63  }
0x38: {  	s13 =	rddreg [dreg:$0x9];
	s14 =	simm.s32 $0x13D80  }
0x39: {  	[tilespmem:s14], [sflag:$0x13] =	stream.linear.gather [hbm4b:s13+s2], $0x50, $0x38;
	[tilespmem:$0x1E080] =	vst v63  }
0x3a: {  	s15 =	rddreg [dreg:$0xa];
	s16 =	simm.s32 $0x13A00  }
0x3b: {  	[tilespmem:s16], [sflag:$0xC] =	stream.linear.gather [hbm4b:s15+s2], $0x50, $0x38;
	[tilespmem:$0x1E080] =	vst v63  }
0x3c: {  	s19 =	rddreg [dreg:$0xb];
	s23 =	simm.s32 $0x13E00  }
0x3d: {  	[tilespmem:s23], [sflag:$0x14] =	stream.linear.gather [hbm4b:s19+s2], $0x50, $0x38;
	[tilespmem:$0x1E080] =	vst v63  }
0x3e: {  	s10 =	rddreg [dreg:$0xc];
	s11 =	simm.s32 $0x13A80  }
0x3f: {  	[tilespmem:s11], [sflag:$0xD] =	stream.linear.gather [hbm4b:s10+s2], $0x50, $0x38;
	[tilespmem:$0x1E080] =	vst v63  }
0x40: {  	s13 =	rddreg [dreg:$0xd];
	s14 =	simm.s32 $0x13E80  }
0x41: {  	[tilespmem:s14], [sflag:$0x15] =	stream.linear.gather [hbm4b:s13+s2], $0x50, $0x38;
	[tilespmem:$0x1E080] =	vst v63  }
0x42: {  	s15 =	rddreg [dreg:$0xe];
	s16 =	simm.s32 $0x13B00  }
0x43: {  	[tilespmem:s16], [sflag:$0xE] =	stream.linear.gather [hbm4b:s15+s2], $0x50, $0x38;
	[tilespmem:$0x1E080] =	vst v63  }
0x44: {  	s19 =	rddreg [dreg:$0xf];
	s23 =	simm.s32 $0x13F00  }
0x45: {  	[tilespmem:s23], [sflag:$0x16] =	stream.linear.gather [hbm4b:s19+s2], $0x50, $0x38;
	[tilespmem:$0x1E080] =	vst v63  }
0x46: {  	_ =	swait.ge [sflag:s26], $0x50  }
0x47: {  	[sflag:s26] =	ssyncset.done $0x0  }
0x48: {  	[sflag:s26] =	ssyncadd.s32 $0xFFFFFFB0  }
0x49: {  	_ =	swait.ge [sflag:s28], $0x50  }
0x4a: {  	[sflag:s28] =	ssyncset.done $0x0  }
0x4b: {  	[sflag:s28] =	ssyncadd.s32 $0xFFFFFFB0  }
0x4c: {  	v17 =	vld [tilespmem:$0x13880];
	_ =	sdelay $0x4  }
0x4d: {  	v18 =	vshll.u32 v17, $0x1  }
0x4e: {  	v17 =	vand.u32 $0x7, v17;
	v18 =	vand.u32 $0xFFFFFFF0, v18  }
0x4f: {  	v17 =	vor.u32 v17, v18  }
0x50: {  	v18 =	vperm.xlane v17, v2;
	_ =	sdelay $0x1  }
0x51: {  	v19 =	vperm.xlane v17, v1;
	v18 =	vadd.s32 v3, v18;
	_ =	sdelay $0x1  }
0x52: {  	v20 =	vperm.xlane v17, v4;
	v19 =	vadd.s32 v3, v19;
	_ =	sdelay $0x1  }
0x53: {  	s10 =	simm.s32 $0x14080;
	v21 =	vperm.xlane v17, v5;
	v20 =	vadd.s32 v3, v20  }
0x54: {  	[tilespmem:s10], [sflag:$0x1] =	stream.indirect_vreg.gather [hbm4b:s17+s2], $0x80, v18, vm0, $0xb8;
	[tilespmem:$0x1E080] =	vst v63  }
0x55: {  	s11 =	simm.s32 $0x14100;
	v56 =	vperm.xlane v17, v6;
	v18 =	vadd.s32 v3, v21  }
0x56: {  	[tilespmem:s11], [sflag:$0x1] =	stream.indirect_vreg.gather [hbm4b:s17+s2], $0x80, v19, vm0, $0xb8;
	[tilespmem:$0x1E080] =	vst v63  }
0x57: {  	s13 =	simm.s32 $0x14180;
	v57 =	vperm.xlane v17, v7;
	v19 =	vadd.s32 v3, v56  }
0x58: {  	[tilespmem:s13], [sflag:$0x1] =	stream.indirect_vreg.gather [hbm4b:s17+s2], $0x80, v20, vm0, $0xb8;
	[tilespmem:$0x1E080] =	vst v63  }
0x59: {  	s14 =	simm.s32 $0x14200;
	v59 =	vperm.xlane v17, v8;
	v58 =	vadd.s32 v3, v57  }
0x5a: {  	[tilespmem:s14], [sflag:$0x1] =	stream.indirect_vreg.gather [hbm4b:s17+s2], $0x80, v18, vm0, $0xb8;
	[tilespmem:$0x1E080] =	vst v63  }
0x5b: {  	s15 =	simm.s32 $0x14280;
	v60 =	vperm.xlane v17, v0;
	v18 =	vadd.s32 v3, v59  }
0x5c: {  	[tilespmem:s15], [sflag:$0x1] =	stream.indirect_vreg.gather [hbm4b:s17+s2], $0x80, v19, vm0, $0xb8;
	[tilespmem:$0x1E080] =	vst v63  }
0x5d: {  	s16 =	simm.s32 $0x14300;
	v61 =	vperm.xlane v17, v9;
	v19 =	vadd.s32 v3, v60  }
0x5e: {  	[tilespmem:s16], [sflag:$0x1] =	stream.indirect_vreg.gather [hbm4b:s17+s2], $0x80, v58, vm0, $0xb8;
	[tilespmem:$0x1E080] =	vst v63  }
0x5f: {  	s19 =	simm.s32 $0x14380;
	v63 =	vperm.xlane v17, v10;
	v62 =	vadd.s32 v3, v61  }
0x60: {  	[tilespmem:s19], [sflag:$0x1] =	stream.indirect_vreg.gather [hbm4b:s17+s2], $0x80, v18, vm0, $0xb8;
	[tilespmem:$0x1E080] =	vst v63  }
0x61: {  	s23 =	simm.s32 $0x14400;
	v24 =	vperm.xlane v17, v11;
	v18 =	vadd.s32 v3, v63  }
0x62: {  	[tilespmem:s23], [sflag:$0x1] =	stream.indirect_vreg.gather [hbm4b:s17+s2], $0x80, v19, vm0, $0xb8;
	[tilespmem:$0x1E080] =	vst v63  }
0x63: {  	s9 =	simm.s32 $0x14480;
	v25 =	vperm.xlane v17, v12;
	v19 =	vadd.s32 v3, v24  }
0x64: {  	[tilespmem:s9], [sflag:$0x1] =	stream.indirect_vreg.gather [hbm4b:s17+s2], $0x80, v62, vm0, $0xb8;
	[tilespmem:$0x1E080] =	vst v63  }
0x65: {  	v27 =	vperm.xlane v17, v13;
	v26 =	vadd.s32 v3, v25;
	s10 =	simm.s32 $0x14500  }
0x66: {  	[tilespmem:s10], [sflag:$0x1] =	stream.indirect_vreg.gather [hbm4b:s17+s2], $0x80, v18, vm0, $0xb8;
	[tilespmem:$0x1E080] =	vst v63  }
0x67: {  	v28 =	vperm.xlane v17, v14;
	s11 =	simm.s32 $0x14580;
	v18 =	vadd.s32 v3, v27  }
0x68: {  	[tilespmem:s11], [sflag:$0x1] =	stream.indirect_vreg.gather [hbm4b:s17+s2], $0x80, v19, vm0, $0xb8;
	[tilespmem:$0x1E080] =	vst v63  }
0x69: {  	v29 =	vperm.xlane v17, v15;
	s13 =	simm.s32 $0x14600;
	v19 =	vadd.s32 v3, v28  }
0x6a: {  	[tilespmem:s13], [sflag:$0x1] =	stream.indirect_vreg.gather [hbm4b:s17+s2], $0x80, v26, vm0, $0xb8;
	[tilespmem:$0x1E080] =	vst v63  }
0x6b: {  	v17 =	vperm.xlane v17, v16;
	v30 =	vadd.s32 v3, v29;
	s14 =	simm.s32 $0x14680  }
0x6c: {  	[tilespmem:s14], [sflag:$0x1] =	stream.indirect_vreg.gather [hbm4b:s17+s2], $0x80, v18, vm0, $0xb8;
	[tilespmem:$0x1E080] =	vst v63  }
0x6d: {  	v17 =	vadd.s32 v3, v17;
	s15 =	simm.s32 $0x14700  }
0x6e: {  	[tilespmem:s15], [sflag:$0x1] =	stream.indirect_vreg.gather [hbm4b:s17+s2], $0x80, v19, vm0, $0xb8;
	[tilespmem:$0x1E080] =	vst v63  }
0x6f: {  	s16 =	simm.s32 $0x14780  }
0x70: {  	[tilespmem:s16], [sflag:$0x1] =	stream.indirect_vreg.gather [hbm4b:s17+s2], $0x80, v30, vm0, $0xb8;
	[tilespmem:$0x1E080] =	vst v63  }
0x71: {  	s19 =	simm.s32 $0x14800  }
0x72: {  	[tilespmem:s19], [sflag:$0x1] =	stream.indirect_vreg.gather [hbm4b:s17+s2], $0x80, v17, vm0, $0xb8;
	[tilespmem:$0x1E080] =	vst v63  }
0x73: {  	v17 =	vld [tilespmem:$0x13890];
	_ =	sdelay $0x4  }
0x74: {  	v18 =	vshll.u32 v17, $0x1  }
0x75: {  	v17 =	vand.u32 $0x7, v17;
	v18 =	vand.u32 $0xFFFFFFF0, v18  }
0x76: {  	v17 =	vor.u32 v17, v18  }
0x77: {  	v18 =	vperm.xlane v17, v2;
	_ =	sdelay $0x1  }
0x78: {  	v19 =	vperm.xlane v17, v1;
	v18 =	vadd.s32 v3, v18;
	_ =	sdelay $0x1  }
0x79: {  	v31 =	vperm.xlane v17, v4;
	v19 =	vadd.s32 v3, v19;
	_ =	sdelay $0x1  }
0x7a: {  	s23 =	simm.s32 $0x14880;
	v32 =	vperm.xlane v17, v5;
	v20 =	vadd.s32 v3, v31  }
0x7b: {  	[tilespmem:s23], [sflag:$0x1] =	stream.indirect_vreg.gather [hbm4b:s17+s2], $0x80, v18, vm0, $0xb8;
	[tilespmem:$0x1E080] =	vst v63  }
0x7c: {  	s9 =	simm.s32 $0x14900;
	v33 =	vperm.xlane v17, v6;
	v18 =	vadd.s32 v3, v32  }
0x7d: {  	[tilespmem:s9], [sflag:$0x1] =	stream.indirect_vreg.gather [hbm4b:s17+s2], $0x80, v19, vm0, $0xb8;
	[tilespmem:$0x1E080] =	vst v63  }
0x7e: {  	s10 =	simm.s32 $0x14980;
	v34 =	vperm.xlane v17, v7;
	v19 =	vadd.s32 v3, v33  }
0x7f: {  	[tilespmem:s10], [sflag:$0x1] =	stream.indirect_vreg.gather [hbm4b:s17+s2], $0x80, v20, vm0, $0xb8;
	[tilespmem:$0x1E080] =	vst v63  }
0x80: {  	s11 =	simm.s32 $0x14A00;
	v36 =	vperm.xlane v17, v8;
	v35 =	vadd.s32 v3, v34  }
0x81: {  	[tilespmem:s11], [sflag:$0x1] =	stream.indirect_vreg.gather [hbm4b:s17+s2], $0x80, v18, vm0, $0xb8;
	[tilespmem:$0x1E080] =	vst v63  }
0x82: {  	s13 =	simm.s32 $0x14A80;
	v37 =	vperm.xlane v17, v0;
	v18 =	vadd.s32 v3, v36  }
0x83: {  	[tilespmem:s13], [sflag:$0x1] =	stream.indirect_vreg.gather [hbm4b:s17+s2], $0x80, v19, vm0, $0xb8;
	[tilespmem:$0x1E080] =	vst v63  }
0x84: {  	s14 =	simm.s32 $0x14B00;
	v38 =	vperm.xlane v17, v9;
	v19 =	vadd.s32 v3, v37  }
0x85: {  	[tilespmem:s14], [sflag:$0x1] =	stream.indirect_vreg.gather [hbm4b:s17+s2], $0x80, v35, vm0, $0xb8;
	[tilespmem:$0x1E080] =	vst v63  }
0x86: {  	s15 =	simm.s32 $0x14B80;
	v40 =	vperm.xlane v17, v10;
	v39 =	vadd.s32 v3, v38  }
0x87: {  	[tilespmem:s15], [sflag:$0x1] =	stream.indirect_vreg.gather [hbm4b:s17+s2], $0x80, v18, vm0, $0xb8;
	[tilespmem:$0x1E080] =	vst v63  }
0x88: {  	s16 =	simm.s32 $0x14C00;
	v41 =	vperm.xlane v17, v11;
	v18 =	vadd.s32 v3, v40  }
0x89: {  	[tilespmem:s16], [sflag:$0x1] =	stream.indirect_vreg.gather [hbm4b:s17+s2], $0x80, v19, vm0, $0xb8;
	[tilespmem:$0x1E080] =	vst v63  }
0x8a: {  	s19 =	simm.s32 $0x14C80;
	v42 =	vperm.xlane v17, v12;
	v19 =	vadd.s32 v3, v41  }
0x8b: {  	[tilespmem:s19], [sflag:$0x1] =	stream.indirect_vreg.gather [hbm4b:s17+s2], $0x80, v39, vm0, $0xb8;
	[tilespmem:$0x1E080] =	vst v63  }
0x8c: {  	v44 =	vperm.xlane v17, v13;
	v43 =	vadd.s32 v3, v42;
	s23 =	simm.s32 $0x14D00  }
0x8d: {  	[tilespmem:s23], [sflag:$0x1] =	stream.indirect_vreg.gather [hbm4b:s17+s2], $0x80, v18, vm0, $0xb8;
	[tilespmem:$0x1E080] =	vst v63  }
0x8e: {  	v45 =	vperm.xlane v17, v14;
	s9 =	simm.s32 $0x14D80;
	v18 =	vadd.s32 v3, v44  }
0x8f: {  	[tilespmem:s9], [sflag:$0x1] =	stream.indirect_vreg.gather [hbm4b:s17+s2], $0x80, v19, vm0, $0xb8;
	[tilespmem:$0x1E080] =	vst v63  }
0x90: {  	v46 =	vperm.xlane v17, v15;
	s10 =	simm.s32 $0x14E00;
	v19 =	vadd.s32 v3, v45  }
0x91: {  	[tilespmem:s10], [sflag:$0x1] =	stream.indirect_vreg.gather [hbm4b:s17+s2], $0x80, v43, vm0, $0xb8;
	[tilespmem:$0x1E080] =	vst v63  }
0x92: {  	v17 =	vperm.xlane v17, v16;
	v47 =	vadd.s32 v3, v46;
	s11 =	simm.s32 $0x14E80  }
0x93: {  	[tilespmem:s11], [sflag:$0x1] =	stream.indirect_vreg.gather [hbm4b:s17+s2], $0x80, v18, vm0, $0xb8;
	[tilespmem:$0x1E080] =	vst v63  }
0x94: {  	v17 =	vadd.s32 v3, v17;
	s13 =	simm.s32 $0x14F00  }
0x95: {  	[tilespmem:s13], [sflag:$0x1] =	stream.indirect_vreg.gather [hbm4b:s17+s2], $0x80, v19, vm0, $0xb8;
	[tilespmem:$0x1E080] =	vst v63  }
0x96: {  	s14 =	simm.s32 $0x14F80  }
0x97: {  	[tilespmem:s14], [sflag:$0x1] =	stream.indirect_vreg.gather [hbm4b:s17+s2], $0x80, v47, vm0, $0xb8;
	[tilespmem:$0x1E080] =	vst v63  }
0x98: {  	s15 =	simm.s32 $0x15000  }
0x99: {  	[tilespmem:s15], [sflag:$0x1] =	stream.indirect_vreg.gather [hbm4b:s17+s2], $0x80, v17, vm0, $0xb8;
	[tilespmem:$0x1E080] =	vst v63  }
0x9a: {  	v17 =	vld [tilespmem:$0x138A0];
	_ =	sdelay $0x4  }
0x9b: {  	v18 =	vshll.u32 v17, $0x1  }
0x9c: {  	v17 =	vand.u32 $0x7, v17;
	v18 =	vand.u32 $0xFFFFFFF0, v18  }
0x9d: {  	v17 =	vor.u32 v17, v18  }
0x9e: {  	v18 =	vperm.xlane v17, v2;
	_ =	sdelay $0x1  }
0x9f: {  	v19 =	vperm.xlane v17, v1;
	v18 =	vadd.s32 v3, v18;
	_ =	sdelay $0x1  }
0xa0: {  	v48 =	vperm.xlane v17, v4;
	v19 =	vadd.s32 v3, v19;
	_ =	sdelay $0x1  }
0xa1: {  	s16 =	simm.s32 $0x15080;
	v49 =	vperm.xlane v17, v5;
	v20 =	vadd.s32 v3, v48  }
0xa2: {  	[tilespmem:s16], [sflag:$0x1] =	stream.indirect_vreg.gather [hbm4b:s17+s2], $0x80, v18, vm0, $0xb8;
	[tilespmem:$0x1E080] =	vst v63  }
0xa3: {  	s19 =	simm.s32 $0x15100;
	v50 =	vperm.xlane v17, v6;
	v18 =	vadd.s32 v3, v49  }
0xa4: {  	[tilespmem:s19], [sflag:$0x1] =	stream.indirect_vreg.gather [hbm4b:s17+s2], $0x80, v19, vm0, $0xb8;
	[tilespmem:$0x1E080] =	vst v63  }
0xa5: {  	s23 =	simm.s32 $0x15180;
	v51 =	vperm.xlane v17, v7;
	v19 =	vadd.s32 v3, v50  }
0xa6: {  	[tilespmem:s23], [sflag:$0x1] =	stream.indirect_vreg.gather [hbm4b:s17+s2], $0x80, v20, vm0, $0xb8;
	[tilespmem:$0x1E080] =	vst v63  }
0xa7: {  	s9 =	simm.s32 $0x15200;
	v53 =	vperm.xlane v17, v8;
	v52 =	vadd.s32 v3, v51  }
0xa8: {  	[tilespmem:s9], [sflag:$0x1] =	stream.indirect_vreg.gather [hbm4b:s17+s2], $0x80, v18, vm0, $0xb8;
	[tilespmem:$0x1E080] =	vst v63  }
0xa9: {  	s10 =	simm.s32 $0x15280;
	v54 =	vperm.xlane v17, v0;
	v18 =	vadd.s32 v3, v53  }
0xaa: {  	[tilespmem:s10], [sflag:$0x1] =	stream.indirect_vreg.gather [hbm4b:s17+s2], $0x80, v19, vm0, $0xb8;
	[tilespmem:$0x1E080] =	vst v63  }
0xab: {  	s11 =	simm.s32 $0x15300;
	v55 =	vperm.xlane v17, v9;
	v19 =	vadd.s32 v3, v54  }
0xac: {  	[tilespmem:s11], [sflag:$0x1] =	stream.indirect_vreg.gather [hbm4b:s17+s2], $0x80, v52, vm0, $0xb8;
	[tilespmem:$0x1E080] =	vst v63  }
0xad: {  	s13 =	simm.s32 $0x15380;
	v57 =	vperm.xlane v17, v10;
	v56 =	vadd.s32 v3, v55  }
0xae: {  	[tilespmem:s13], [sflag:$0x1] =	stream.indirect_vreg.gather [hbm4b:s17+s2], $0x80, v18, vm0, $0xb8;
	[tilespmem:$0x1E080] =	vst v63  }
0xaf: {  	s14 =	simm.s32 $0x15400;
	v58 =	vperm.xlane v17, v11;
	v18 =	vadd.s32 v3, v57  }
0xb0: {  	[tilespmem:s14], [sflag:$0x1] =	stream.indirect_vreg.gather [hbm4b:s17+s2], $0x80, v19, vm0, $0xb8;
	[tilespmem:$0x1E080] =	vst v63  }
0xb1: {  	s15 =	simm.s32 $0x15480;
	v59 =	vperm.xlane v17, v12;
	v19 =	vadd.s32 v3, v58  }
0xb2: {  	[tilespmem:s15], [sflag:$0x1] =	stream.indirect_vreg.gather [hbm4b:s17+s2], $0x80, v56, vm0, $0xb8;
	[tilespmem:$0x1E080] =	vst v63  }
0xb3: {  	v61 =	vperm.xlane v17, v13;
	v60 =	vadd.s32 v3, v59;
	s16 =	simm.s32 $0x15500  }
0xb4: {  	[tilespmem:s16], [sflag:$0x1] =	stream.indirect_vreg.gather [hbm4b:s17+s2], $0x80, v18, vm0, $0xb8;
	[tilespmem:$0x1E080] =	vst v63  }
0xb5: {  	v62 =	vperm.xlane v17, v14;
	s19 =	simm.s32 $0x15580;
	v18 =	vadd.s32 v3, v61  }
0xb6: {  	[tilespmem:s19], [sflag:$0x1] =	stream.indirect_vreg.gather [hbm4b:s17+s2], $0x80, v19, vm0, $0xb8;
	[tilespmem:$0x1E080] =	vst v63  }
0xb7: {  	v63 =	vperm.xlane v17, v15;
	s23 =	simm.s32 $0x15600;
	v19 =	vadd.s32 v3, v62  }
0xb8: {  	[tilespmem:s23], [sflag:$0x1] =	stream.indirect_vreg.gather [hbm4b:s17+s2], $0x80, v60, vm0, $0xb8;
	[tilespmem:$0x1E080] =	vst v63  }
0xb9: {  	v17 =	vperm.xlane v17, v16;
	v24 =	vadd.s32 v3, v63;
	s9 =	simm.s32 $0x15680  }
0xba: {  	[tilespmem:s9], [sflag:$0x1] =	stream.indirect_vreg.gather [hbm4b:s17+s2], $0x80, v18, vm0, $0xb8;
	[tilespmem:$0x1E080] =	vst v63  }
0xbb: {  	v17 =	vadd.s32 v3, v17;
	s10 =	simm.s32 $0x15700  }
0xbc: {  	[tilespmem:s10], [sflag:$0x1] =	stream.indirect_vreg.gather [hbm4b:s17+s2], $0x80, v19, vm0, $0xb8;
	[tilespmem:$0x1E080] =	vst v63  }
0xbd: {  	s11 =	simm.s32 $0x15780  }
0xbe: {  	[tilespmem:s11], [sflag:$0x1] =	stream.indirect_vreg.gather [hbm4b:s17+s2], $0x80, v24, vm0, $0xb8;
	[tilespmem:$0x1E080] =	vst v63  }
0xbf: {  	s13 =	simm.s32 $0x15800  }
0xc0: {  	[tilespmem:s13], [sflag:$0x1] =	stream.indirect_vreg.gather [hbm4b:s17+s2], $0x80, v17, vm0, $0xb8;
	[tilespmem:$0x1E080] =	vst v63  }
0xc1: {  	v17 =	vld [tilespmem:$0x138B0];
	_ =	sdelay $0x4  }
0xc2: {  	v18 =	vshll.u32 v17, $0x1  }
0xc3: {  	v17 =	vand.u32 $0x7, v17;
	v18 =	vand.u32 $0xFFFFFFF0, v18  }
0xc4: {  	v17 =	vor.u32 v17, v18  }
0xc5: {  	v18 =	vperm.xlane v17, v2;
	_ =	sdelay $0x1  }
0xc6: {  	v19 =	vperm.xlane v17, v1;
	v18 =	vadd.s32 v3, v18;
	_ =	sdelay $0x1  }
0xc7: {  	v25 =	vperm.xlane v17, v4;
	v19 =	vadd.s32 v3, v19;
	_ =	sdelay $0x1  }
0xc8: {  	s14 =	simm.s32 $0x15880;
	v26 =	vperm.xlane v17, v5;
	v20 =	vadd.s32 v3, v25  }
0xc9: {  	[tilespmem:s14], [sflag:$0x1] =	stream.indirect_vreg.gather [hbm4b:s17+s2], $0x80, v18, vm0, $0xb8;
	[tilespmem:$0x1E080] =	vst v63  }
0xca: {  	s15 =	simm.s32 $0x15900;
	v27 =	vperm.xlane v17, v6;
	v18 =	vadd.s32 v3, v26  }
0xcb: {  	[tilespmem:s15], [sflag:$0x1] =	stream.indirect_vreg.gather [hbm4b:s17+s2], $0x80, v19, vm0, $0xb8;
	[tilespmem:$0x1E080] =	vst v63  }
0xcc: {  	s16 =	simm.s32 $0x15980;
	v28 =	vperm.xlane v17, v7;
	v19 =	vadd.s32 v3, v27  }
0xcd: {  	[tilespmem:s16], [sflag:$0x1] =	stream.indirect_vreg.gather [hbm4b:s17+s2], $0x80, v20, vm0, $0xb8;
	[tilespmem:$0x1E080] =	vst v63  }
0xce: {  	s19 =	simm.s32 $0x15A00;
	v30 =	vperm.xlane v17, v8;
	v29 =	vadd.s32 v3, v28  }
0xcf: {  	[tilespmem:s19], [sflag:$0x1] =	stream.indirect_vreg.gather [hbm4b:s17+s2], $0x80, v18, vm0, $0xb8;
	[tilespmem:$0x1E080] =	vst v63  }
0xd0: {  	s23 =	simm.s32 $0x15A80;
	v31 =	vperm.xlane v17, v0;
	v18 =	vadd.s32 v3, v30  }
0xd1: {  	[tilespmem:s23], [sflag:$0x1] =	stream.indirect_vreg.gather [hbm4b:s17+s2], $0x80, v19, vm0, $0xb8;
	[tilespmem:$0x1E080] =	vst v63  }
0xd2: {  	s9 =	simm.s32 $0x15B00;
	v32 =	vperm.xlane v17, v9;
	v19 =	vadd.s32 v3, v31  }
0xd3: {  	[tilespmem:s9], [sflag:$0x1] =	stream.indirect_vreg.gather [hbm4b:s17+s2], $0x80, v29, vm0, $0xb8;
	[tilespmem:$0x1E080] =	vst v63  }
0xd4: {  	s10 =	simm.s32 $0x15B80;
	v34 =	vperm.xlane v17, v10;
	v33 =	vadd.s32 v3, v32  }
0xd5: {  	[tilespmem:s10], [sflag:$0x1] =	stream.indirect_vreg.gather [hbm4b:s17+s2], $0x80, v18, vm0, $0xb8;
	[tilespmem:$0x1E080] =	vst v63  }
0xd6: {  	s11 =	simm.s32 $0x15C00;
	v35 =	vperm.xlane v17, v11;
	v18 =	vadd.s32 v3, v34  }
0xd7: {  	[tilespmem:s11], [sflag:$0x1] =	stream.indirect_vreg.gather [hbm4b:s17+s2], $0x80, v19, vm0, $0xb8;
	[tilespmem:$0x1E080] =	vst v63  }
0xd8: {  	s13 =	simm.s32 $0x15C80;
	v36 =	vperm.xlane v17, v12;
	v19 =	vadd.s32 v3, v35  }
0xd9: {  	[tilespmem:s13], [sflag:$0x1] =	stream.indirect_vreg.gather [hbm4b:s17+s2], $0x80, v33, vm0, $0xb8;
	[tilespmem:$0x1E080] =	vst v63  }
0xda: {  	v38 =	vperm.xlane v17, v13;
	v37 =	vadd.s32 v3, v36;
	s14 =	simm.s32 $0x15D00  }
0xdb: {  	[tilespmem:s14], [sflag:$0x1] =	stream.indirect_vreg.gather [hbm4b:s17+s2], $0x80, v18, vm0, $0xb8;
	[tilespmem:$0x1E080] =	vst v63  }
0xdc: {  	v39 =	vperm.xlane v17, v14;
	s15 =	simm.s32 $0x15D80;
	v18 =	vadd.s32 v3, v38  }
0xdd: {  	[tilespmem:s15], [sflag:$0x1] =	stream.indirect_vreg.gather [hbm4b:s17+s2], $0x80, v19, vm0, $0xb8;
	[tilespmem:$0x1E080] =	vst v63  }
0xde: {  	v40 =	vperm.xlane v17, v15;
	s16 =	simm.s32 $0x15E00;
	v19 =	vadd.s32 v3, v39  }
0xdf: {  	[tilespmem:s16], [sflag:$0x1] =	stream.indirect_vreg.gather [hbm4b:s17+s2], $0x80, v37, vm0, $0xb8;
	[tilespmem:$0x1E080] =	vst v63  }
0xe0: {  	v17 =	vperm.xlane v17, v16;
	v41 =	vadd.s32 v3, v40;
	s19 =	simm.s32 $0x15E80  }
0xe1: {  	[tilespmem:s19], [sflag:$0x1] =	stream.indirect_vreg.gather [hbm4b:s17+s2], $0x80, v18, vm0, $0xb8;
	[tilespmem:$0x1E080] =	vst v63  }
0xe2: {  	v17 =	vadd.s32 v3, v17;
	s23 =	simm.s32 $0x15F00  }
0xe3: {  	[tilespmem:s23], [sflag:$0x1] =	stream.indirect_vreg.gather [hbm4b:s17+s2], $0x80, v19, vm0, $0xb8;
	[tilespmem:$0x1E080] =	vst v63  }
0xe4: {  	s9 =	simm.s32 $0x15F80  }
0xe5: {  	[tilespmem:s9], [sflag:$0x1] =	stream.indirect_vreg.gather [hbm4b:s17+s2], $0x80, v41, vm0, $0xb8;
	[tilespmem:$0x1E080] =	vst v63  }
0xe6: {  	s10 =	simm.s32 $0x16000  }
0xe7: {  	[tilespmem:s10], [sflag:$0x1] =	stream.indirect_vreg.gather [hbm4b:s17+s2], $0x80, v17, vm0, $0xb8;
	[tilespmem:$0x1E080] =	vst v63  }
0xe8: {  	v17 =	vld [tilespmem:$0x138C0];
	_ =	sdelay $0x4  }
0xe9: {  	v18 =	vshll.u32 v17, $0x1  }
0xea: {  	v17 =	vand.u32 $0x7, v17;
	v18 =	vand.u32 $0xFFFFFFF0, v18  }
0xeb: {  	v17 =	vor.u32 v17, v18  }
0xec: {  	v18 =	vperm.xlane v17, v2;
	_ =	sdelay $0x1  }
0xed: {  	v19 =	vperm.xlane v17, v1;
	v18 =	vadd.s32 v3, v18;
	_ =	sdelay $0x1  }
0xee: {  	v42 =	vperm.xlane v17, v4;
	v19 =	vadd.s32 v3, v19;
	_ =	sdelay $0x1  }
0xef: {  	s11 =	simm.s32 $0x16080;
	v43 =	vperm.xlane v17, v5;
	v20 =	vadd.s32 v3, v42  }
0xf0: {  	[tilespmem:s11], [sflag:$0x1] =	stream.indirect_vreg.gather [hbm4b:s17+s2], $0x80, v18, vm0, $0xb8;
	[tilespmem:$0x1E080] =	vst v63  }
0xf1: {  	s13 =	simm.s32 $0x16100;
	v44 =	vperm.xlane v17, v6;
	v18 =	vadd.s32 v3, v43  }
0xf2: {  	[tilespmem:s13], [sflag:$0x1] =	stream.indirect_vreg.gather [hbm4b:s17+s2], $0x80, v19, vm0, $0xb8;
	[tilespmem:$0x1E080] =	vst v63  }
0xf3: {  	s14 =	simm.s32 $0x16180;
	v45 =	vperm.xlane v17, v7;
	v19 =	vadd.s32 v3, v44  }
0xf4: {  	[tilespmem:s14], [sflag:$0x1] =	stream.indirect_vreg.gather [hbm4b:s17+s2], $0x80, v20, vm0, $0xb8;
	[tilespmem:$0x1E080] =	vst v63  }
0xf5: {  	s15 =	simm.s32 $0x16200;
	v47 =	vperm.xlane v17, v8;
	v46 =	vadd.s32 v3, v45  }
0xf6: {  	[tilespmem:s15], [sflag:$0x1] =	stream.indirect_vreg.gather [hbm4b:s17+s2], $0x80, v18, vm0, $0xb8;
	[tilespmem:$0x1E080] =	vst v63  }
0xf7: {  	s16 =	simm.s32 $0x16280;
	v48 =	vperm.xlane v17, v0;
	v18 =	vadd.s32 v3, v47  }
0xf8: {  	[tilespmem:s16], [sflag:$0x1] =	stream.indirect_vreg.gather [hbm4b:s17+s2], $0x80, v19, vm0, $0xb8;
	[tilespmem:$0x1E080] =	vst v63  }
0xf9: {  	s19 =	simm.s32 $0x16300;
	v49 =	vperm.xlane v17, v9;
	v19 =	vadd.s32 v3, v48  }
0xfa: {  	[tilespmem:s19], [sflag:$0x1] =	stream.indirect_vreg.gather [hbm4b:s17+s2], $0x80, v46, vm0, $0xb8;
	[tilespmem:$0x1E080] =	vst v63  }
0xfb: {  	s23 =	simm.s32 $0x16380;
	v51 =	vperm.xlane v17, v10;
	v50 =	vadd.s32 v3, v49  }
0xfc: {  	[tilespmem:s23], [sflag:$0x1] =	stream.indirect_vreg.gather [hbm4b:s17+s2], $0x80, v18, vm0, $0xb8;
	[tilespmem:$0x1E080] =	vst v63  }
0xfd: {  	s9 =	simm.s32 $0x16400;
	v52 =	vperm.xlane v17, v11;
	v18 =	vadd.s32 v3, v51  }
0xfe: {  	[tilespmem:s9], [sflag:$0x1] =	stream.indirect_vreg.gather [hbm4b:s17+s2], $0x80, v19, vm0, $0xb8;
	[tilespmem:$0x1E080] =	vst v63  }
0xff: {  	s10 =	simm.s32 $0x16480;
	v53 =	vperm.xlane v17, v12;
	v19 =	vadd.s32 v3, v52  }
0x100: {  	[tilespmem:s10], [sflag:$0x1] =	stream.indirect_vreg.gather [hbm4b:s17+s2], $0x80, v50, vm0, $0xb8;
	[tilespmem:$0x1E080] =	vst v63  }
0x101: {  	v55 =	vperm.xlane v17, v13;
	v54 =	vadd.s32 v3, v53;
	s11 =	simm.s32 $0x16500  }
0x102: {  	[tilespmem:s11], [sflag:$0x1] =	stream.indirect_vreg.gather [hbm4b:s17+s2], $0x80, v18, vm0, $0xb8;
	[tilespmem:$0x1E080] =	vst v63  }
0x103: {  	v56 =	vperm.xlane v17, v14;
	s13 =	simm.s32 $0x16580;
	v18 =	vadd.s32 v3, v55  }
0x104: {  	[tilespmem:s13], [sflag:$0x1] =	stream.indirect_vreg.gather [hbm4b:s17+s2], $0x80, v19, vm0, $0xb8;
	[tilespmem:$0x1E080] =	vst v63  }
0x105: {  	v57 =	vperm.xlane v17, v15;
	s14 =	simm.s32 $0x16600;
	v19 =	vadd.s32 v3, v56  }
0x106: {  	[tilespmem:s14], [sflag:$0x1] =	stream.indirect_vreg.gather [hbm4b:s17+s2], $0x80, v54, vm0, $0xb8;
	[tilespmem:$0x1E080] =	vst v63  }
0x107: {  	v17 =	vperm.xlane v17, v16;
	v58 =	vadd.s32 v3, v57;
	s15 =	simm.s32 $0x16680  }
0x108: {  	[tilespmem:s15], [sflag:$0x1] =	stream.indirect_vreg.gather [hbm4b:s17+s2], $0x80, v18, vm0, $0xb8;
	[tilespmem:$0x1E080] =	vst v63  }
0x109: {  	v17 =	vadd.s32 v3, v17;
	s16 =	simm.s32 $0x16700  }
0x10a: {  	[tilespmem:s16], [sflag:$0x1] =	stream.indirect_vreg.gather [hbm4b:s17+s2], $0x80, v19, vm0, $0xb8;
	[tilespmem:$0x1E080] =	vst v63  }
0x10b: {  	s19 =	simm.s32 $0x16780  }
0x10c: {  	[tilespmem:s19], [sflag:$0x1] =	stream.indirect_vreg.gather [hbm4b:s17+s2], $0x80, v58, vm0, $0xb8;
	[tilespmem:$0x1E080] =	vst v63  }
0x10d: {  	s23 =	simm.s32 $0x16800  }
0x10e: {  	[tilespmem:s23], [sflag:$0x1] =	stream.indirect_vreg.gather [hbm4b:s17+s2], $0x80, v17, vm0, $0xb8;
	[tilespmem:$0x1E080] =	vst v63  }
0x10f: {  	_ =	swait.ge [sflag:s29], $0x50  }
0x110: {  	[sflag:s29] =	ssyncset.done $0x0  }
0x111: {  	[sflag:s29] =	ssyncadd.s32 $0xFFFFFFB0  }
0x112: {  	_ =	swait.ge [sflag:s30], $0x50  }
0x113: {  	[sflag:s30] =	ssyncset.done $0x0  }
0x114: {  	[sflag:s30] =	ssyncadd.s32 $0xFFFFFFB0  }
0x115: {  	v17 =	vld [tilespmem:$0x13900];
	_ =	sdelay $0x4  }
0x116: {  	v18 =	vshll.u32 v17, $0x1  }
0x117: {  	v17 =	vand.u32 $0x7, v17;
	v18 =	vand.u32 $0xFFFFFFF0, v18  }
0x118: {  	v17 =	vor.u32 v17, v18  }
0x119: {  	v18 =	vperm.xlane v17, v2;
	_ =	sdelay $0x1  }
0x11a: {  	v19 =	vperm.xlane v17, v1;
	v18 =	vadd.s32 v3, v18;
	_ =	sdelay $0x1  }
0x11b: {  	v59 =	vperm.xlane v17, v4;
	v19 =	vadd.s32 v3, v19;
	_ =	sdelay $0x1  }
0x11c: {  	s9 =	simm.s32 $0x16880;
	v60 =	vperm.xlane v17, v5;
	v20 =	vadd.s32 v3, v59  }
0x11d: {  	[tilespmem:s9], [sflag:$0x2] =	stream.indirect_vreg.gather [hbm4b:s17+s2], $0x80, v18, vm0, $0xb8;
	[tilespmem:$0x1E080] =	vst v63  }
0x11e: {  	s10 =	simm.s32 $0x16900;
	v61 =	vperm.xlane v17, v6;
	v18 =	vadd.s32 v3, v60  }
0x11f: {  	[tilespmem:s10], [sflag:$0x2] =	stream.indirect_vreg.gather [hbm4b:s17+s2], $0x80, v19, vm0, $0xb8;
	[tilespmem:$0x1E080] =	vst v63  }
0x120: {  	s11 =	simm.s32 $0x16980;
	v62 =	vperm.xlane v17, v7;
	v19 =	vadd.s32 v3, v61  }
0x121: {  	[tilespmem:s11], [sflag:$0x2] =	stream.indirect_vreg.gather [hbm4b:s17+s2], $0x80, v20, vm0, $0xb8;
	[tilespmem:$0x1E080] =	vst v63  }
0x122: {  	s13 =	simm.s32 $0x16A00;
	v24 =	vperm.xlane v17, v8;
	v63 =	vadd.s32 v3, v62  }
0x123: {  	[tilespmem:s13], [sflag:$0x2] =	stream.indirect_vreg.gather [hbm4b:s17+s2], $0x80, v18, vm0, $0xb8;
	[tilespmem:$0x1E080] =	vst v63  }
0x124: {  	s14 =	simm.s32 $0x16A80;
	v25 =	vperm.xlane v17, v0;
	v18 =	vadd.s32 v3, v24  }
0x125: {  	[tilespmem:s14], [sflag:$0x2] =	stream.indirect_vreg.gather [hbm4b:s17+s2], $0x80, v19, vm0, $0xb8;
	[tilespmem:$0x1E080] =	vst v63  }
0x126: {  	s15 =	simm.s32 $0x16B00;
	v26 =	vperm.xlane v17, v9;
	v19 =	vadd.s32 v3, v25  }
0x127: {  	[tilespmem:s15], [sflag:$0x2] =	stream.indirect_vreg.gather [hbm4b:s17+s2], $0x80, v63, vm0, $0xb8;
	[tilespmem:$0x1E080] =	vst v63  }
0x128: {  	s16 =	simm.s32 $0x16B80;
	v28 =	vperm.xlane v17, v10;
	v27 =	vadd.s32 v3, v26  }
0x129: {  	[tilespmem:s16], [sflag:$0x2] =	stream.indirect_vreg.gather [hbm4b:s17+s2], $0x80, v18, vm0, $0xb8;
	[tilespmem:$0x1E080] =	vst v63  }
0x12a: {  	s19 =	simm.s32 $0x16C00;
	v29 =	vperm.xlane v17, v11;
	v18 =	vadd.s32 v3, v28  }
0x12b: {  	[tilespmem:s19], [sflag:$0x2] =	stream.indirect_vreg.gather [hbm4b:s17+s2], $0x80, v19, vm0, $0xb8;
	[tilespmem:$0x1E080] =	vst v63  }
0x12c: {  	s23 =	simm.s32 $0x16C80;
	v30 =	vperm.xlane v17, v12;
	v19 =	vadd.s32 v3, v29  }
0x12d: {  	[tilespmem:s23], [sflag:$0x2] =	stream.indirect_vreg.gather [hbm4b:s17+s2], $0x80, v27, vm0, $0xb8;
	[tilespmem:$0x1E080] =	vst v63  }
0x12e: {  	v32 =	vperm.xlane v17, v13;
	v31 =	vadd.s32 v3, v30;
	s9 =	simm.s32 $0x16D00  }
0x12f: {  	[tilespmem:s9], [sflag:$0x2] =	stream.indirect_vreg.gather [hbm4b:s17+s2], $0x80, v18, vm0, $0xb8;
	[tilespmem:$0x1E080] =	vst v63  }
0x130: {  	v33 =	vperm.xlane v17, v14;
	s10 =	simm.s32 $0x16D80;
	v18 =	vadd.s32 v3, v32  }
0x131: {  	[tilespmem:s10], [sflag:$0x2] =	stream.indirect_vreg.gather [hbm4b:s17+s2], $0x80, v19, vm0, $0xb8;
	[tilespmem:$0x1E080] =	vst v63  }
0x132: {  	v34 =	vperm.xlane v17, v15;
	s11 =	simm.s32 $0x16E00;
	v19 =	vadd.s32 v3, v33  }
0x133: {  	[tilespmem:s11], [sflag:$0x2] =	stream.indirect_vreg.gather [hbm4b:s17+s2], $0x80, v31, vm0, $0xb8;
	[tilespmem:$0x1E080] =	vst v63  }
0x134: {  	v17 =	vperm.xlane v17, v16;
	v35 =	vadd.s32 v3, v34;
	s13 =	simm.s32 $0x16E80  }
0x135: {  	[tilespmem:s13], [sflag:$0x2] =	stream.indirect_vreg.gather [hbm4b:s17+s2], $0x80, v18, vm0, $0xb8;
	[tilespmem:$0x1E080] =	vst v63  }
0x136: {  	v17 =	vadd.s32 v3, v17;
	s14 =	simm.s32 $0x16F00  }
0x137: {  	[tilespmem:s14], [sflag:$0x2] =	stream.indirect_vreg.gather [hbm4b:s17+s2], $0x80, v19, vm0, $0xb8;
	[tilespmem:$0x1E080] =	vst v63  }
0x138: {  	s15 =	simm.s32 $0x16F80  }
0x139: {  	[tilespmem:s15], [sflag:$0x2] =	stream.indirect_vreg.gather [hbm4b:s17+s2], $0x80, v35, vm0, $0xb8;
	[tilespmem:$0x1E080] =	vst v63  }
0x13a: {  	s16 =	simm.s32 $0x17000  }
0x13b: {  	[tilespmem:s16], [sflag:$0x2] =	stream.indirect_vreg.gather [hbm4b:s17+s2], $0x80, v17, vm0, $0xb8;
	[tilespmem:$0x1E080] =	vst v63  }
0x13c: {  	v17 =	vld [tilespmem:$0x13910];
	_ =	sdelay $0x4  }
0x13d: {  	v18 =	vshll.u32 v17, $0x1  }
0x13e: {  	v17 =	vand.u32 $0x7, v17;
	v18 =	vand.u32 $0xFFFFFFF0, v18  }
0x13f: {  	v17 =	vor.u32 v17, v18  }
0x140: {  	v18 =	vperm.xlane v17, v2;
	_ =	sdelay $0x1  }
0x141: {  	v19 =	vperm.xlane v17, v1;
	v18 =	vadd.s32 v3, v18;
	_ =	sdelay $0x1  }
0x142: {  	v36 =	vperm.xlane v17, v4;
	v19 =	vadd.s32 v3, v19;
	_ =	sdelay $0x1  }
0x143: {  	s19 =	simm.s32 $0x17080;
	v37 =	vperm.xlane v17, v5;
	v20 =	vadd.s32 v3, v36  }
0x144: {  	[tilespmem:s19], [sflag:$0x2] =	stream.indirect_vreg.gather [hbm4b:s17+s2], $0x80, v18, vm0, $0xb8;
	[tilespmem:$0x1E080] =	vst v63  }
0x145: {  	s23 =	simm.s32 $0x17100;
	v38 =	vperm.xlane v17, v6;
	v18 =	vadd.s32 v3, v37  }
0x146: {  	[tilespmem:s23], [sflag:$0x2] =	stream.indirect_vreg.gather [hbm4b:s17+s2], $0x80, v19, vm0, $0xb8;
	[tilespmem:$0x1E080] =	vst v63  }
0x147: {  	s9 =	simm.s32 $0x17180;
	v39 =	vperm.xlane v17, v7;
	v19 =	vadd.s32 v3, v38  }
0x148: {  	[tilespmem:s9], [sflag:$0x2] =	stream.indirect_vreg.gather [hbm4b:s17+s2], $0x80, v20, vm0, $0xb8;
	[tilespmem:$0x1E080] =	vst v63  }
0x149: {  	s10 =	simm.s32 $0x17200;
	v41 =	vperm.xlane v17, v8;
	v40 =	vadd.s32 v3, v39  }
0x14a: {  	[tilespmem:s10], [sflag:$0x2] =	stream.indirect_vreg.gather [hbm4b:s17+s2], $0x80, v18, vm0, $0xb8;
	[tilespmem:$0x1E080] =	vst v63  }
0x14b: {  	s11 =	simm.s32 $0x17280;
	v42 =	vperm.xlane v17, v0;
	v18 =	vadd.s32 v3, v41  }
0x14c: {  	[tilespmem:s11], [sflag:$0x2] =	stream.indirect_vreg.gather [hbm4b:s17+s2], $0x80, v19, vm0, $0xb8;
	[tilespmem:$0x1E080] =	vst v63  }
0x14d: {  	s13 =	simm.s32 $0x17300;
	v43 =	vperm.xlane v17, v9;
	v19 =	vadd.s32 v3, v42  }
0x14e: {  	[tilespmem:s13], [sflag:$0x2] =	stream.indirect_vreg.gather [hbm4b:s17+s2], $0x80, v40, vm0, $0xb8;
	[tilespmem:$0x1E080] =	vst v63  }
0x14f: {  	s14 =	simm.s32 $0x17380;
	v45 =	vperm.xlane v17, v10;
	v44 =	vadd.s32 v3, v43  }
0x150: {  	[tilespmem:s14], [sflag:$0x2] =	stream.indirect_vreg.gather [hbm4b:s17+s2], $0x80, v18, vm0, $0xb8;
	[tilespmem:$0x1E080] =	vst v63  }
0x151: {  	s15 =	simm.s32 $0x17400;
	v46 =	vperm.xlane v17, v11;
	v18 =	vadd.s32 v3, v45  }
0x152: {  	[tilespmem:s15], [sflag:$0x2] =	stream.indirect_vreg.gather [hbm4b:s17+s2], $0x80, v19, vm0, $0xb8;
	[tilespmem:$0x1E080] =	vst v63  }
0x153: {  	s16 =	simm.s32 $0x17480;
	v47 =	vperm.xlane v17, v12;
	v19 =	vadd.s32 v3, v46  }
0x154: {  	[tilespmem:s16], [sflag:$0x2] =	stream.indirect_vreg.gather [hbm4b:s17+s2], $0x80, v44, vm0, $0xb8;
	[tilespmem:$0x1E080] =	vst v63  }
0x155: {  	v49 =	vperm.xlane v17, v13;
	v48 =	vadd.s32 v3, v47;
	s19 =	simm.s32 $0x17500  }
0x156: {  	[tilespmem:s19], [sflag:$0x2] =	stream.indirect_vreg.gather [hbm4b:s17+s2], $0x80, v18, vm0, $0xb8;
	[tilespmem:$0x1E080] =	vst v63  }
0x157: {  	v50 =	vperm.xlane v17, v14;
	s23 =	simm.s32 $0x17580;
	v18 =	vadd.s32 v3, v49  }
0x158: {  	[tilespmem:s23], [sflag:$0x2] =	stream.indirect_vreg.gather [hbm4b:s17+s2], $0x80, v19, vm0, $0xb8;
	[tilespmem:$0x1E080] =	vst v63  }
0x159: {  	v51 =	vperm.xlane v17, v15;
	s9 =	simm.s32 $0x17600;
	v19 =	vadd.s32 v3, v50  }
0x15a: {  	[tilespmem:s9], [sflag:$0x2] =	stream.indirect_vreg.gather [hbm4b:s17+s2], $0x80, v48, vm0, $0xb8;
	[tilespmem:$0x1E080] =	vst v63  }
0x15b: {  	v17 =	vperm.xlane v17, v16;
	v52 =	vadd.s32 v3, v51;
	s10 =	simm.s32 $0x17680  }
0x15c: {  	[tilespmem:s10], [sflag:$0x2] =	stream.indirect_vreg.gather [hbm4b:s17+s2], $0x80, v18, vm0, $0xb8;
	[tilespmem:$0x1E080] =	vst v63  }
0x15d: {  	v17 =	vadd.s32 v3, v17;
	s11 =	simm.s32 $0x17700  }
0x15e: {  	[tilespmem:s11], [sflag:$0x2] =	stream.indirect_vreg.gather [hbm4b:s17+s2], $0x80, v19, vm0, $0xb8;
	[tilespmem:$0x1E080] =	vst v63  }
0x15f: {  	s13 =	simm.s32 $0x17780  }
0x160: {  	[tilespmem:s13], [sflag:$0x2] =	stream.indirect_vreg.gather [hbm4b:s17+s2], $0x80, v52, vm0, $0xb8;
	[tilespmem:$0x1E080] =	vst v63  }
0x161: {  	s14 =	simm.s32 $0x17800  }
0x162: {  	[tilespmem:s14], [sflag:$0x2] =	stream.indirect_vreg.gather [hbm4b:s17+s2], $0x80, v17, vm0, $0xb8;
	[tilespmem:$0x1E080] =	vst v63  }
0x163: {  	v17 =	vld [tilespmem:$0x13920];
	_ =	sdelay $0x4  }
0x164: {  	v18 =	vshll.u32 v17, $0x1  }
0x165: {  	v17 =	vand.u32 $0x7, v17;
	v18 =	vand.u32 $0xFFFFFFF0, v18  }
0x166: {  	v17 =	vor.u32 v17, v18  }
0x167: {  	v18 =	vperm.xlane v17, v2;
	_ =	sdelay $0x1  }
0x168: {  	v19 =	vperm.xlane v17, v1;
	v18 =	vadd.s32 v3, v18;
	_ =	sdelay $0x1  }
0x169: {  	v53 =	vperm.xlane v17, v4;
	v19 =	vadd.s32 v3, v19;
	_ =	sdelay $0x1  }
0x16a: {  	s15 =	simm.s32 $0x17880;
	v54 =	vperm.xlane v17, v5;
	v20 =	vadd.s32 v3, v53  }
0x16b: {  	[tilespmem:s15], [sflag:$0x2] =	stream.indirect_vreg.gather [hbm4b:s17+s2], $0x80, v18, vm0, $0xb8;
	[tilespmem:$0x1E080] =	vst v63  }
0x16c: {  	s16 =	simm.s32 $0x17900;
	v55 =	vperm.xlane v17, v6;
	v18 =	vadd.s32 v3, v54  }
0x16d: {  	[tilespmem:s16], [sflag:$0x2] =	stream.indirect_vreg.gather [hbm4b:s17+s2], $0x80, v19, vm0, $0xb8;
	[tilespmem:$0x1E080] =	vst v63  }
0x16e: {  	s19 =	simm.s32 $0x17980;
	v56 =	vperm.xlane v17, v7;
	v19 =	vadd.s32 v3, v55  }
0x16f: {  	[tilespmem:s19], [sflag:$0x2] =	stream.indirect_vreg.gather [hbm4b:s17+s2], $0x80, v20, vm0, $0xb8;
	[tilespmem:$0x1E080] =	vst v63  }
0x170: {  	s23 =	simm.s32 $0x17A00;
	v58 =	vperm.xlane v17, v8;
	v57 =	vadd.s32 v3, v56  }
0x171: {  	[tilespmem:s23], [sflag:$0x2] =	stream.indirect_vreg.gather [hbm4b:s17+s2], $0x80, v18, vm0, $0xb8;
	[tilespmem:$0x1E080] =	vst v63  }
0x172: {  	s9 =	simm.s32 $0x17A80;
	v59 =	vperm.xlane v17, v0;
	v18 =	vadd.s32 v3, v58  }
0x173: {  	[tilespmem:s9], [sflag:$0x2] =	stream.indirect_vreg.gather [hbm4b:s17+s2], $0x80, v19, vm0, $0xb8;
	[tilespmem:$0x1E080] =	vst v63  }
0x174: {  	s10 =	simm.s32 $0x17B00;
	v60 =	vperm.xlane v17, v9;
	v19 =	vadd.s32 v3, v59  }
0x175: {  	[tilespmem:s10], [sflag:$0x2] =	stream.indirect_vreg.gather [hbm4b:s17+s2], $0x80, v57, vm0, $0xb8;
	[tilespmem:$0x1E080] =	vst v63  }
0x176: {  	s11 =	simm.s32 $0x17B80;
	v62 =	vperm.xlane v17, v10;
	v61 =	vadd.s32 v3, v60  }
0x177: {  	[tilespmem:s11], [sflag:$0x2] =	stream.indirect_vreg.gather [hbm4b:s17+s2], $0x80, v18, vm0, $0xb8;
	[tilespmem:$0x1E080] =	vst v63  }
0x178: {  	s13 =	simm.s32 $0x17C00;
	v63 =	vperm.xlane v17, v11;
	v18 =	vadd.s32 v3, v62  }
0x179: {  	[tilespmem:s13], [sflag:$0x2] =	stream.indirect_vreg.gather [hbm4b:s17+s2], $0x80, v19, vm0, $0xb8;
	[tilespmem:$0x1E080] =	vst v63  }
0x17a: {  	s14 =	simm.s32 $0x17C80;
	v24 =	vperm.xlane v17, v12;
	v19 =	vadd.s32 v3, v63  }
0x17b: {  	[tilespmem:s14], [sflag:$0x2] =	stream.indirect_vreg.gather [hbm4b:s17+s2], $0x80, v61, vm0, $0xb8;
	[tilespmem:$0x1E080] =	vst v63  }
0x17c: {  	v26 =	vperm.xlane v17, v13;
	v25 =	vadd.s32 v3, v24;
	s15 =	simm.s32 $0x17D00  }
0x17d: {  	[tilespmem:s15], [sflag:$0x2] =	stream.indirect_vreg.gather [hbm4b:s17+s2], $0x80, v18, vm0, $0xb8;
	[tilespmem:$0x1E080] =	vst v63  }
0x17e: {  	v27 =	vperm.xlane v17, v14;
	s16 =	simm.s32 $0x17D80;
	v18 =	vadd.s32 v3, v26  }
0x17f: {  	[tilespmem:s16], [sflag:$0x2] =	stream.indirect_vreg.gather [hbm4b:s17+s2], $0x80, v19, vm0, $0xb8;
	[tilespmem:$0x1E080] =	vst v63  }
0x180: {  	v28 =	vperm.xlane v17, v15;
	s19 =	simm.s32 $0x17E00;
	v19 =	vadd.s32 v3, v27  }
0x181: {  	[tilespmem:s19], [sflag:$0x2] =	stream.indirect_vreg.gather [hbm4b:s17+s2], $0x80, v25, vm0, $0xb8;
	[tilespmem:$0x1E080] =	vst v63  }
0x182: {  	v17 =	vperm.xlane v17, v16;
	v29 =	vadd.s32 v3, v28;
	s23 =	simm.s32 $0x17E80  }
0x183: {  	[tilespmem:s23], [sflag:$0x2] =	stream.indirect_vreg.gather [hbm4b:s17+s2], $0x80, v18, vm0, $0xb8;
	[tilespmem:$0x1E080] =	vst v63  }
0x184: {  	v17 =	vadd.s32 v3, v17;
	s9 =	simm.s32 $0x17F00  }
0x185: {  	[tilespmem:s9], [sflag:$0x2] =	stream.indirect_vreg.gather [hbm4b:s17+s2], $0x80, v19, vm0, $0xb8;
	[tilespmem:$0x1E080] =	vst v63  }
0x186: {  	s10 =	simm.s32 $0x17F80  }
0x187: {  	[tilespmem:s10], [sflag:$0x2] =	stream.indirect_vreg.gather [hbm4b:s17+s2], $0x80, v29, vm0, $0xb8;
	[tilespmem:$0x1E080] =	vst v63  }
0x188: {  	s11 =	simm.s32 $0x18000  }
0x189: {  	[tilespmem:s11], [sflag:$0x2] =	stream.indirect_vreg.gather [hbm4b:s17+s2], $0x80, v17, vm0, $0xb8;
	[tilespmem:$0x1E080] =	vst v63  }
0x18a: {  	v17 =	vld [tilespmem:$0x13930];
	_ =	sdelay $0x4  }
0x18b: {  	v18 =	vshll.u32 v17, $0x1  }
0x18c: {  	v17 =	vand.u32 $0x7, v17;
	v18 =	vand.u32 $0xFFFFFFF0, v18  }
0x18d: {  	v17 =	vor.u32 v17, v18  }
0x18e: {  	v18 =	vperm.xlane v17, v2;
	_ =	sdelay $0x1  }
0x18f: {  	v19 =	vperm.xlane v17, v1;
	v18 =	vadd.s32 v3, v18;
	_ =	sdelay $0x1  }
0x190: {  	v30 =	vperm.xlane v17, v4;
	v19 =	vadd.s32 v3, v19;
	_ =	sdelay $0x1  }
0x191: {  	s13 =	simm.s32 $0x18080;
	v31 =	vperm.xlane v17, v5;
	v20 =	vadd.s32 v3, v30  }
0x192: {  	[tilespmem:s13], [sflag:$0x2] =	stream.indirect_vreg.gather [hbm4b:s17+s2], $0x80, v18, vm0, $0xb8;
	[tilespmem:$0x1E080] =	vst v63  }
0x193: {  	s14 =	simm.s32 $0x18100;
	v32 =	vperm.xlane v17, v6;
	v18 =	vadd.s32 v3, v31  }
0x194: {  	[tilespmem:s14], [sflag:$0x2] =	stream.indirect_vreg.gather [hbm4b:s17+s2], $0x80, v19, vm0, $0xb8;
	[tilespmem:$0x1E080] =	vst v63  }
0x195: {  	s15 =	simm.s32 $0x18180;
	v33 =	vperm.xlane v17, v7;
	v19 =	vadd.s32 v3, v32  }
0x196: {  	[tilespmem:s15], [sflag:$0x2] =	stream.indirect_vreg.gather [hbm4b:s17+s2], $0x80, v20, vm0, $0xb8;
	[tilespmem:$0x1E080] =	vst v63  }
0x197: {  	s16 =	simm.s32 $0x18200;
	v35 =	vperm.xlane v17, v8;
	v34 =	vadd.s32 v3, v33  }
0x198: {  	[tilespmem:s16], [sflag:$0x2] =	stream.indirect_vreg.gather [hbm4b:s17+s2], $0x80, v18, vm0, $0xb8;
	[tilespmem:$0x1E080] =	vst v63  }
0x199: {  	s19 =	simm.s32 $0x18280;
	v36 =	vperm.xlane v17, v0;
	v18 =	vadd.s32 v3, v35  }
0x19a: {  	[tilespmem:s19], [sflag:$0x2] =	stream.indirect_vreg.gather [hbm4b:s17+s2], $0x80, v19, vm0, $0xb8;
	[tilespmem:$0x1E080] =	vst v63  }
0x19b: {  	s23 =	simm.s32 $0x18300;
	v37 =	vperm.xlane v17, v9;
	v19 =	vadd.s32 v3, v36  }
0x19c: {  	[tilespmem:s23], [sflag:$0x2] =	stream.indirect_vreg.gather [hbm4b:s17+s2], $0x80, v34, vm0, $0xb8;
	[tilespmem:$0x1E080] =	vst v63  }
0x19d: {  	s9 =	simm.s32 $0x18380;
	v39 =	vperm.xlane v17, v10;
	v38 =	vadd.s32 v3, v37  }
0x19e: {  	[tilespmem:s9], [sflag:$0x2] =	stream.indirect_vreg.gather [hbm4b:s17+s2], $0x80, v18, vm0, $0xb8;
	[tilespmem:$0x1E080] =	vst v63  }
0x19f: {  	s10 =	simm.s32 $0x18400;
	v40 =	vperm.xlane v17, v11;
	v18 =	vadd.s32 v3, v39  }
0x1a0: {  	[tilespmem:s10], [sflag:$0x2] =	stream.indirect_vreg.gather [hbm4b:s17+s2], $0x80, v19, vm0, $0xb8;
	[tilespmem:$0x1E080] =	vst v63  }
0x1a1: {  	s11 =	simm.s32 $0x18480;
	v41 =	vperm.xlane v17, v12;
	v19 =	vadd.s32 v3, v40  }
0x1a2: {  	[tilespmem:s11], [sflag:$0x2] =	stream.indirect_vreg.gather [hbm4b:s17+s2], $0x80, v38, vm0, $0xb8;
	[tilespmem:$0x1E080] =	vst v63  }
0x1a3: {  	v43 =	vperm.xlane v17, v13;
	v42 =	vadd.s32 v3, v41;
	s13 =	simm.s32 $0x18500  }
0x1a4: {  	[tilespmem:s13], [sflag:$0x2] =	stream.indirect_vreg.gather [hbm4b:s17+s2], $0x80, v18, vm0, $0xb8;
	[tilespmem:$0x1E080] =	vst v63  }
0x1a5: {  	v44 =	vperm.xlane v17, v14;
	s14 =	simm.s32 $0x18580;
	v18 =	vadd.s32 v3, v43  }
0x1a6: {  	[tilespmem:s14], [sflag:$0x2] =	stream.indirect_vreg.gather [hbm4b:s17+s2], $0x80, v19, vm0, $0xb8;
	[tilespmem:$0x1E080] =	vst v63  }
0x1a7: {  	v45 =	vperm.xlane v17, v15;
	s15 =	simm.s32 $0x18600;
	v19 =	vadd.s32 v3, v44  }
0x1a8: {  	[tilespmem:s15], [sflag:$0x2] =	stream.indirect_vreg.gather [hbm4b:s17+s2], $0x80, v42, vm0, $0xb8;
	[tilespmem:$0x1E080] =	vst v63  }
0x1a9: {  	v17 =	vperm.xlane v17, v16;
	v46 =	vadd.s32 v3, v45;
	s16 =	simm.s32 $0x18680  }
0x1aa: {  	[tilespmem:s16], [sflag:$0x2] =	stream.indirect_vreg.gather [hbm4b:s17+s2], $0x80, v18, vm0, $0xb8;
	[tilespmem:$0x1E080] =	vst v63  }
0x1ab: {  	v17 =	vadd.s32 v3, v17;
	s19 =	simm.s32 $0x18700  }
0x1ac: {  	[tilespmem:s19], [sflag:$0x2] =	stream.indirect_vreg.gather [hbm4b:s17+s2], $0x80, v19, vm0, $0xb8;
	[tilespmem:$0x1E080] =	vst v63  }
0x1ad: {  	s23 =	simm.s32 $0x18780  }
0x1ae: {  	[tilespmem:s23], [sflag:$0x2] =	stream.indirect_vreg.gather [hbm4b:s17+s2], $0x80, v46, vm0, $0xb8;
	[tilespmem:$0x1E080] =	vst v63  }
0x1af: {  	s9 =	simm.s32 $0x18800  }
0x1b0: {  	[tilespmem:s9], [sflag:$0x2] =	stream.indirect_vreg.gather [hbm4b:s17+s2], $0x80, v17, vm0, $0xb8;
	[tilespmem:$0x1E080] =	vst v63  }
0x1b1: {  	v17 =	vld [tilespmem:$0x13940];
	_ =	sdelay $0x4  }
0x1b2: {  	v18 =	vshll.u32 v17, $0x1  }
0x1b3: {  	v17 =	vand.u32 $0x7, v17;
	v18 =	vand.u32 $0xFFFFFFF0, v18  }
0x1b4: {  	v17 =	vor.u32 v17, v18  }
0x1b5: {  	v18 =	vperm.xlane v17, v2;
	_ =	sdelay $0x1  }
0x1b6: {  	v19 =	vperm.xlane v17, v1;
	v18 =	vadd.s32 v3, v18;
	_ =	sdelay $0x1  }
0x1b7: {  	v47 =	vperm.xlane v17, v4;
	v19 =	vadd.s32 v3, v19;
	_ =	sdelay $0x1  }
0x1b8: {  	s10 =	simm.s32 $0x18880;
	v48 =	vperm.xlane v17, v5;
	v20 =	vadd.s32 v3, v47  }
0x1b9: {  	[tilespmem:s10], [sflag:$0x2] =	stream.indirect_vreg.gather [hbm4b:s17+s2], $0x80, v18, vm0, $0xb8;
	[tilespmem:$0x1E080] =	vst v63  }
0x1ba: {  	s11 =	simm.s32 $0x18900;
	v49 =	vperm.xlane v17, v6;
	v18 =	vadd.s32 v3, v48  }
0x1bb: {  	[tilespmem:s11], [sflag:$0x2] =	stream.indirect_vreg.gather [hbm4b:s17+s2], $0x80, v19, vm0, $0xb8;
	[tilespmem:$0x1E080] =	vst v63  }
0x1bc: {  	s13 =	simm.s32 $0x18980;
	v50 =	vperm.xlane v17, v7;
	v19 =	vadd.s32 v3, v49  }
0x1bd: {  	[tilespmem:s13], [sflag:$0x2] =	stream.indirect_vreg.gather [hbm4b:s17+s2], $0x80, v20, vm0, $0xb8;
	[tilespmem:$0x1E080] =	vst v63  }
0x1be: {  	s14 =	simm.s32 $0x18A00;
	v52 =	vperm.xlane v17, v8;
	v51 =	vadd.s32 v3, v50  }
0x1bf: {  	[tilespmem:s14], [sflag:$0x2] =	stream.indirect_vreg.gather [hbm4b:s17+s2], $0x80, v18, vm0, $0xb8;
	[tilespmem:$0x1E080] =	vst v63  }
0x1c0: {  	s15 =	simm.s32 $0x18A80;
	v53 =	vperm.xlane v17, v0;
	v18 =	vadd.s32 v3, v52  }
0x1c1: {  	[tilespmem:s15], [sflag:$0x2] =	stream.indirect_vreg.gather [hbm4b:s17+s2], $0x80, v19, vm0, $0xb8;
	[tilespmem:$0x1E080] =	vst v63  }
0x1c2: {  	s16 =	simm.s32 $0x18B00;
	v54 =	vperm.xlane v17, v9;
	v19 =	vadd.s32 v3, v53  }
0x1c3: {  	[tilespmem:s16], [sflag:$0x2] =	stream.indirect_vreg.gather [hbm4b:s17+s2], $0x80, v51, vm0, $0xb8;
	[tilespmem:$0x1E080] =	vst v63  }
0x1c4: {  	s19 =	simm.s32 $0x18B80;
	v56 =	vperm.xlane v17, v10;
	v55 =	vadd.s32 v3, v54  }
0x1c5: {  	[tilespmem:s19], [sflag:$0x2] =	stream.indirect_vreg.gather [hbm4b:s17+s2], $0x80, v18, vm0, $0xb8;
	[tilespmem:$0x1E080] =	vst v63  }
0x1c6: {  	s23 =	simm.s32 $0x18C00;
	v57 =	vperm.xlane v17, v11;
	v18 =	vadd.s32 v3, v56  }
0x1c7: {  	[tilespmem:s23], [sflag:$0x2] =	stream.indirect_vreg.gather [hbm4b:s17+s2], $0x80, v19, vm0, $0xb8;
	[tilespmem:$0x1E080] =	vst v63  }
0x1c8: {  	s9 =	simm.s32 $0x18C80;
	v58 =	vperm.xlane v17, v12;
	v19 =	vadd.s32 v3, v57  }
0x1c9: {  	[tilespmem:s9], [sflag:$0x2] =	stream.indirect_vreg.gather [hbm4b:s17+s2], $0x80, v55, vm0, $0xb8;
	[tilespmem:$0x1E080] =	vst v63  }
0x1ca: {  	v60 =	vperm.xlane v17, v13;
	v59 =	vadd.s32 v3, v58;
	s10 =	simm.s32 $0x18D00  }
0x1cb: {  	[tilespmem:s10], [sflag:$0x2] =	stream.indirect_vreg.gather [hbm4b:s17+s2], $0x80, v18, vm0, $0xb8;
	[tilespmem:$0x1E080] =	vst v63  }
0x1cc: {  	v61 =	vperm.xlane v17, v14;
	s11 =	simm.s32 $0x18D80;
	v18 =	vadd.s32 v3, v60  }
0x1cd: {  	[tilespmem:s11], [sflag:$0x2] =	stream.indirect_vreg.gather [hbm4b:s17+s2], $0x80, v19, vm0, $0xb8;
	[tilespmem:$0x1E080] =	vst v63  }
0x1ce: {  	v62 =	vperm.xlane v17, v15;
	s13 =	simm.s32 $0x18E00;
	v19 =	vadd.s32 v3, v61  }
0x1cf: {  	[tilespmem:s13], [sflag:$0x2] =	stream.indirect_vreg.gather [hbm4b:s17+s2], $0x80, v59, vm0, $0xb8;
	[tilespmem:$0x1E080] =	vst v63  }
0x1d0: {  	v17 =	vperm.xlane v17, v16;
	v63 =	vadd.s32 v3, v62;
	s14 =	simm.s32 $0x18E80  }
0x1d1: {  	[tilespmem:s14], [sflag:$0x2] =	stream.indirect_vreg.gather [hbm4b:s17+s2], $0x80, v18, vm0, $0xb8;
	[tilespmem:$0x1E080] =	vst v63  }
0x1d2: {  	v17 =	vadd.s32 v3, v17;
	s15 =	simm.s32 $0x18F00;
	s23 =	stileid.u32  }
0x1d3: {  	[tilespmem:s15], [sflag:$0x2] =	stream.indirect_vreg.gather [hbm4b:s17+s2], $0x80, v19, vm0, $0xb8;
	[tilespmem:$0x1E080] =	vst v63  }
0x1d4: {  	s16 =	simm.s32 $0x18F80;
	s8 =	sshll.u32 s23, $0x6  }
0x1d5: {  	[tilespmem:s16], [sflag:$0x2] =	stream.indirect_vreg.gather [hbm4b:s17+s2], $0x80, v63, vm0, $0xb8;
	[tilespmem:$0x1E080] =	vst v63  }
0x1d6: {  	s19 =	simm.s32 $0x19000;
	s8 =	sor.u32 $0x1C19, s8;
	s9 =	sshrl.u32 s18, $0x3  }
0x1d7: {  	[tilespmem:s19], [sflag:$0x2] =	stream.indirect_vreg.gather [hbm4b:s17+s2], $0x80, v17, vm0, $0xb8;
	[tilespmem:$0x1E080] =	vst v63  }
0x1d8: {  	[spmem:s9], [sflag:s8] =	dma.local [hbm:s4], $0xD00  }
0x1d9: {  	_ =	swait.ge [sflag:s0], $0xD00  }
0x1da: {  	[sflag:s0] =	ssyncset.done $0x0  }
0x1db: {  	[sflag:s0] =	ssyncadd.s32 $0xFFFFF300  }
0x1dc: {  	[spmem:s24], [sflag:s8] =	dma.local [hbm:s4], $0xD00  }
0x1dd: {  	_ =	swait.ge [sflag:s0], $0xD00  }
0x1de: {  	[sflag:s0] =	ssyncset.done $0x0  }
0x1df: {  	[sflag:s0] =	ssyncadd.s32 $0xFFFFF300  }
0x1e0: {  	[spmem:s25], [sflag:s8] =	dma.local [hbm:s4], $0xD00  }
0x1e1: {  	_ =	swait.ge [sflag:s0], $0xD00  }
0x1e2: {  	[sflag:s0] =	ssyncset.done $0x0  }
0x1e3: {  	s10 =	sshrl.u32 @!p0 s20, $0x3;
	s11 =	simm.s32 @!p0 $0x19;
	[sflag:s0] =	ssyncadd.s32 $0xFFFFF300  }
0x1e4: {  	[spmem:s10], [sflag:s8] =	dma.local @!p0 [hbm:s4], $0x100  }
.Ltmp2:
0x1e5: {  	_ =	swait.ge @!p0 [sflag:s11], $0x100;
	(pc) =	sbr.rel .LBB2_2-.Ltmp2, $4  }
0x1e6: {  	[sflag:s11] =	ssyncset.done @!p0 $0x0  }
0x1e7: {  	[sflag:s11] =	ssyncadd.s32 @!p0 $0xFFFFFF00  }
0x1e8: {  	[bflag:$0x0] =	sbarrier.arrive $0xFFFF  }
0x1e9: {  	s23 =	smov.u32 s12;
	s13 =	simm.s32 $0x0;
	s11 =	simm.s32 $0x0  }
.LBB2_3:
0x1ea: {  	s14 =	sadd.s32 $0x6, s13  }
0x1eb: {  	s14 =	sand.u32 $0x7, s14  }
0x1ec: {  	s15 =	sshll.u32 s14, $0x7  }
0x1ed: {  	s19 =	sadd.s32 $0x9, s14;
	s16 =	sadd.s32 $0x13880, s15  }
0x1ee: {  	[tilespmem:s16], [sflag:s19] =	stream.linear.gather [hbm4b:s23+s2], $0x50, $0x38;
	[tilespmem:$0x1E080] =	vst v63  }
0x1ef: {  	s14 =	sadd.s32 $0x11, s14;
	s15 =	sadd.s32 $0x13C80, s15;
	s19 =	sadd.s32 $0xFFFFB1E0, s23  }
0x1f0: {  	[tilespmem:s15], [sflag:s14] =	stream.linear.gather [hbm4b:s19+s2], $0x50, $0x38;
	[tilespmem:$0x1E080] =	vst v63  }
.LBB2_5:
0x1f1: {  	s14 =	sadd.s32 $0x2, s13  }
0x1f2: {  	s15 =	sand.u32 $0x7, s14  }
0x1f3: {  	s16 =	sadd.s32 $0x9, s15  }
0x1f4: {  	_ =	swait.ge [sflag:s16], $0x50  }
0x1f5: {  	[sflag:s16] =	ssyncset.done $0x0  }
0x1f6: {  	s19 =	sadd.s32 $0x11, s15;
	[sflag:s16] =	ssyncadd.s32 $0xFFFFFFB0  }
0x1f7: {  	_ =	swait.ge [sflag:s19], $0x50  }
0x1f8: {  	[sflag:s19] =	ssyncset.done $0x0  }
0x1f9: {  	s16 =	sshll.u32 s15, $0x7;
	[sflag:s19] =	ssyncadd.s32 $0xFFFFFFB0  }
0x1fa: {  	v17 =	vld [tilespmem:s16+$0x13880];
	_ =	sdelay $0x4  }
0x1fb: {  	v18 =	vshll.u32 v17, $0x1  }
0x1fc: {  	v17 =	vand.u32 $0x7, v17;
	v18 =	vand.u32 $0xFFFFFFF0, v18  }
0x1fd: {  	v17 =	vor.u32 v17, v18  }
0x1fe: {  	v18 =	vperm.xlane v17, v2;
	_ =	sdelay $0x1  }
0x1ff: {  	s15 =	sand.u32 $0x3, s14;
	v19 =	vperm.xlane v17, v1;
	v18 =	vadd.s32 v3, v18  }
0x200: {  	s14 =	smul.u32 $0xA000, s15  }
0x201: {  	v20 =	vperm.xlane v17, v4;
	v19 =	vadd.s32 v3, v19  }
0x202: {  	s14 =	sshrl.u32 s14, $0x2  }
0x203: {  	s15 =	sadd.s32 $0x1, s15;
	s19 =	sadd.s32 $0x14080, s14;
	v21 =	vperm.xlane v17, v5;
	v20 =	vadd.s32 v3, v20  }
0x204: {  	[tilespmem:s19], [sflag:s15] =	stream.indirect_vreg.gather [hbm4b:s17+s2], $0x80, v18, vm0, $0xb8;
	[tilespmem:$0x1E080] =	vst v63  }
0x205: {  	v61 =	vperm.xlane v17, v6;
	s19 =	sadd.s32 $0x14100, s14;
	v18 =	vadd.s32 v3, v21  }
0x206: {  	[tilespmem:s19], [sflag:s15] =	stream.indirect_vreg.gather [hbm4b:s17+s2], $0x80, v19, vm0, $0xb8;
	[tilespmem:$0x1E080] =	vst v63  }
0x207: {  	v62 =	vperm.xlane v17, v7;
	s19 =	sadd.s32 $0x14180, s14;
	v19 =	vadd.s32 v3, v61  }
0x208: {  	[tilespmem:s19], [sflag:s15] =	stream.indirect_vreg.gather [hbm4b:s17+s2], $0x80, v20, vm0, $0xb8;
	[tilespmem:$0x1E080] =	vst v63  }
0x209: {  	v24 =	vperm.xlane v17, v8;
	v63 =	vadd.s32 v3, v62;
	s19 =	sadd.s32 $0x14200, s14  }
0x20a: {  	[tilespmem:s19], [sflag:s15] =	stream.indirect_vreg.gather [hbm4b:s17+s2], $0x80, v18, vm0, $0xb8;
	[tilespmem:$0x1E080] =	vst v63  }
0x20b: {  	v25 =	vperm.xlane v17, v0;
	s19 =	sadd.s32 $0x14280, s14;
	v18 =	vadd.s32 v3, v24  }
0x20c: {  	[tilespmem:s19], [sflag:s15] =	stream.indirect_vreg.gather [hbm4b:s17+s2], $0x80, v19, vm0, $0xb8;
	[tilespmem:$0x1E080] =	vst v63  }
0x20d: {  	v26 =	vperm.xlane v17, v9;
	s19 =	sadd.s32 $0x14300, s14;
	v19 =	vadd.s32 v3, v25  }
0x20e: {  	[tilespmem:s19], [sflag:s15] =	stream.indirect_vreg.gather [hbm4b:s17+s2], $0x80, v63, vm0, $0xb8;
	[tilespmem:$0x1E080] =	vst v63  }
0x20f: {  	v28 =	vperm.xlane v17, v10;
	v27 =	vadd.s32 v3, v26;
	s19 =	sadd.s32 $0x14380, s14  }
0x210: {  	[tilespmem:s19], [sflag:s15] =	stream.indirect_vreg.gather [hbm4b:s17+s2], $0x80, v18, vm0, $0xb8;
	[tilespmem:$0x1E080] =	vst v63  }
0x211: {  	v29 =	vperm.xlane v17, v11;
	s19 =	sadd.s32 $0x14400, s14;
	v18 =	vadd.s32 v3, v28  }
0x212: {  	[tilespmem:s19], [sflag:s15] =	stream.indirect_vreg.gather [hbm4b:s17+s2], $0x80, v19, vm0, $0xb8;
	[tilespmem:$0x1E080] =	vst v63  }
0x213: {  	v30 =	vperm.xlane v17, v12;
	s19 =	sadd.s32 $0x14480, s14;
	v19 =	vadd.s32 v3, v29  }
0x214: {  	[tilespmem:s19], [sflag:s15] =	stream.indirect_vreg.gather [hbm4b:s17+s2], $0x80, v27, vm0, $0xb8;
	[tilespmem:$0x1E080] =	vst v63  }
0x215: {  	v32 =	vperm.xlane v17, v13;
	v31 =	vadd.s32 v3, v30;
	s19 =	sadd.s32 $0x14500, s14  }
0x216: {  	[tilespmem:s19], [sflag:s15] =	stream.indirect_vreg.gather [hbm4b:s17+s2], $0x80, v18, vm0, $0xb8;
	[tilespmem:$0x1E080] =	vst v63  }
0x217: {  	v33 =	vperm.xlane v17, v14;
	s19 =	sadd.s32 $0x14580, s14;
	v18 =	vadd.s32 v3, v32  }
0x218: {  	[tilespmem:s19], [sflag:s15] =	stream.indirect_vreg.gather [hbm4b:s17+s2], $0x80, v19, vm0, $0xb8;
	[tilespmem:$0x1E080] =	vst v63  }
0x219: {  	v34 =	vperm.xlane v17, v15;
	s19 =	sadd.s32 $0x14600, s14;
	v19 =	vadd.s32 v3, v33  }
0x21a: {  	[tilespmem:s19], [sflag:s15] =	stream.indirect_vreg.gather [hbm4b:s17+s2], $0x80, v31, vm0, $0xb8;
	[tilespmem:$0x1E080] =	vst v63  }
0x21b: {  	v17 =	vperm.xlane v17, v16;
	v35 =	vadd.s32 v3, v34;
	s19 =	sadd.s32 $0x14680, s14  }
0x21c: {  	[tilespmem:s19], [sflag:s15] =	stream.indirect_vreg.gather [hbm4b:s17+s2], $0x80, v18, vm0, $0xb8;
	[tilespmem:$0x1E080] =	vst v63  }
0x21d: {  	v17 =	vadd.s32 v3, v17;
	s19 =	sadd.s32 $0x14700, s14  }
0x21e: {  	[tilespmem:s19], [sflag:s15] =	stream.indirect_vreg.gather [hbm4b:s17+s2], $0x80, v19, vm0, $0xb8;
	[tilespmem:$0x1E080] =	vst v63  }
0x21f: {  	s19 =	sadd.s32 $0x14780, s14  }
0x220: {  	[tilespmem:s19], [sflag:s15] =	stream.indirect_vreg.gather [hbm4b:s17+s2], $0x80, v35, vm0, $0xb8;
	[tilespmem:$0x1E080] =	vst v63  }
0x221: {  	s19 =	sadd.s32 $0x14800, s14  }
0x222: {  	[tilespmem:s19], [sflag:s15] =	stream.indirect_vreg.gather [hbm4b:s17+s2], $0x80, v17, vm0, $0xb8;
	[tilespmem:$0x1E080] =	vst v63  }
0x223: {  	v17 =	vld [tilespmem:s16+$0x13890];
	_ =	sdelay $0x4  }
0x224: {  	v18 =	vshll.u32 v17, $0x1  }
0x225: {  	v17 =	vand.u32 $0x7, v17;
	v18 =	vand.u32 $0xFFFFFFF0, v18  }
0x226: {  	v17 =	vor.u32 v17, v18  }
0x227: {  	v18 =	vperm.xlane v17, v2;
	_ =	sdelay $0x1  }
0x228: {  	v19 =	vperm.xlane v17, v1;
	v18 =	vadd.s32 v3, v18;
	_ =	sdelay $0x1  }
0x229: {  	v36 =	vperm.xlane v17, v4;
	v19 =	vadd.s32 v3, v19;
	_ =	sdelay $0x1  }
0x22a: {  	s19 =	sadd.s32 $0x14880, s14;
	v37 =	vperm.xlane v17, v5;
	v20 =	vadd.s32 v3, v36  }
0x22b: {  	[tilespmem:s19], [sflag:s15] =	stream.indirect_vreg.gather [hbm4b:s17+s2], $0x80, v18, vm0, $0xb8;
	[tilespmem:$0x1E080] =	vst v63  }
0x22c: {  	v38 =	vperm.xlane v17, v6;
	s19 =	sadd.s32 $0x14900, s14;
	v18 =	vadd.s32 v3, v37  }
0x22d: {  	[tilespmem:s19], [sflag:s15] =	stream.indirect_vreg.gather [hbm4b:s17+s2], $0x80, v19, vm0, $0xb8;
	[tilespmem:$0x1E080] =	vst v63  }
0x22e: {  	v39 =	vperm.xlane v17, v7;
	s19 =	sadd.s32 $0x14980, s14;
	v19 =	vadd.s32 v3, v38  }
0x22f: {  	[tilespmem:s19], [sflag:s15] =	stream.indirect_vreg.gather [hbm4b:s17+s2], $0x80, v20, vm0, $0xb8;
	[tilespmem:$0x1E080] =	vst v63  }
0x230: {  	v41 =	vperm.xlane v17, v8;
	v40 =	vadd.s32 v3, v39;
	s19 =	sadd.s32 $0x14A00, s14  }
0x231: {  	[tilespmem:s19], [sflag:s15] =	stream.indirect_vreg.gather [hbm4b:s17+s2], $0x80, v18, vm0, $0xb8;
	[tilespmem:$0x1E080] =	vst v63  }
0x232: {  	v42 =	vperm.xlane v17, v0;
	s19 =	sadd.s32 $0x14A80, s14;
	v18 =	vadd.s32 v3, v41  }
0x233: {  	[tilespmem:s19], [sflag:s15] =	stream.indirect_vreg.gather [hbm4b:s17+s2], $0x80, v19, vm0, $0xb8;
	[tilespmem:$0x1E080] =	vst v63  }
0x234: {  	v43 =	vperm.xlane v17, v9;
	s19 =	sadd.s32 $0x14B00, s14;
	v19 =	vadd.s32 v3, v42  }
0x235: {  	[tilespmem:s19], [sflag:s15] =	stream.indirect_vreg.gather [hbm4b:s17+s2], $0x80, v40, vm0, $0xb8;
	[tilespmem:$0x1E080] =	vst v63  }
0x236: {  	v45 =	vperm.xlane v17, v10;
	v44 =	vadd.s32 v3, v43;
	s19 =	sadd.s32 $0x14B80, s14  }
0x237: {  	[tilespmem:s19], [sflag:s15] =	stream.indirect_vreg.gather [hbm4b:s17+s2], $0x80, v18, vm0, $0xb8;
	[tilespmem:$0x1E080] =	vst v63  }
0x238: {  	v46 =	vperm.xlane v17, v11;
	s19 =	sadd.s32 $0x14C00, s14;
	v18 =	vadd.s32 v3, v45  }
0x239: {  	[tilespmem:s19], [sflag:s15] =	stream.indirect_vreg.gather [hbm4b:s17+s2], $0x80, v19, vm0, $0xb8;
	[tilespmem:$0x1E080] =	vst v63  }
0x23a: {  	v47 =	vperm.xlane v17, v12;
	s19 =	sadd.s32 $0x14C80, s14;
	v19 =	vadd.s32 v3, v46  }
0x23b: {  	[tilespmem:s19], [sflag:s15] =	stream.indirect_vreg.gather [hbm4b:s17+s2], $0x80, v44, vm0, $0xb8;
	[tilespmem:$0x1E080] =	vst v63  }
0x23c: {  	v49 =	vperm.xlane v17, v13;
	v48 =	vadd.s32 v3, v47;
	s19 =	sadd.s32 $0x14D00, s14  }
0x23d: {  	[tilespmem:s19], [sflag:s15] =	stream.indirect_vreg.gather [hbm4b:s17+s2], $0x80, v18, vm0, $0xb8;
	[tilespmem:$0x1E080] =	vst v63  }
0x23e: {  	v50 =	vperm.xlane v17, v14;
	s19 =	sadd.s32 $0x14D80, s14;
	v18 =	vadd.s32 v3, v49  }
0x23f: {  	[tilespmem:s19], [sflag:s15] =	stream.indirect_vreg.gather [hbm4b:s17+s2], $0x80, v19, vm0, $0xb8;
	[tilespmem:$0x1E080] =	vst v63  }
0x240: {  	v51 =	vperm.xlane v17, v15;
	s19 =	sadd.s32 $0x14E00, s14;
	v19 =	vadd.s32 v3, v50  }
0x241: {  	[tilespmem:s19], [sflag:s15] =	stream.indirect_vreg.gather [hbm4b:s17+s2], $0x80, v48, vm0, $0xb8;
	[tilespmem:$0x1E080] =	vst v63  }
0x242: {  	v17 =	vperm.xlane v17, v16;
	v52 =	vadd.s32 v3, v51;
	s19 =	sadd.s32 $0x14E80, s14  }
0x243: {  	[tilespmem:s19], [sflag:s15] =	stream.indirect_vreg.gather [hbm4b:s17+s2], $0x80, v18, vm0, $0xb8;
	[tilespmem:$0x1E080] =	vst v63  }
0x244: {  	v17 =	vadd.s32 v3, v17;
	s19 =	sadd.s32 $0x14F00, s14  }
0x245: {  	[tilespmem:s19], [sflag:s15] =	stream.indirect_vreg.gather [hbm4b:s17+s2], $0x80, v19, vm0, $0xb8;
	[tilespmem:$0x1E080] =	vst v63  }
0x246: {  	s19 =	sadd.s32 $0x14F80, s14  }
0x247: {  	[tilespmem:s19], [sflag:s15] =	stream.indirect_vreg.gather [hbm4b:s17+s2], $0x80, v52, vm0, $0xb8;
	[tilespmem:$0x1E080] =	vst v63  }
0x248: {  	s19 =	sadd.s32 $0x15000, s14  }
0x249: {  	[tilespmem:s19], [sflag:s15] =	stream.indirect_vreg.gather [hbm4b:s17+s2], $0x80, v17, vm0, $0xb8;
	[tilespmem:$0x1E080] =	vst v63  }
0x24a: {  	v17 =	vld [tilespmem:s16+$0x138A0];
	_ =	sdelay $0x4  }
0x24b: {  	v18 =	vshll.u32 v17, $0x1  }
0x24c: {  	v17 =	vand.u32 $0x7, v17;
	v18 =	vand.u32 $0xFFFFFFF0, v18  }
0x24d: {  	v17 =	vor.u32 v17, v18  }
0x24e: {  	v18 =	vperm.xlane v17, v2;
	_ =	sdelay $0x1  }
0x24f: {  	v19 =	vperm.xlane v17, v1;
	v18 =	vadd.s32 v3, v18;
	_ =	sdelay $0x1  }
0x250: {  	v53 =	vperm.xlane v17, v4;
	v19 =	vadd.s32 v3, v19;
	_ =	sdelay $0x1  }
0x251: {  	s19 =	sadd.s32 $0x15080, s14;
	v54 =	vperm.xlane v17, v5;
	v20 =	vadd.s32 v3, v53  }
0x252: {  	[tilespmem:s19], [sflag:s15] =	stream.indirect_vreg.gather [hbm4b:s17+s2], $0x80, v18, vm0, $0xb8;
	[tilespmem:$0x1E080] =	vst v63  }
0x253: {  	v55 =	vperm.xlane v17, v6;
	s19 =	sadd.s32 $0x15100, s14;
	v18 =	vadd.s32 v3, v54  }
0x254: {  	[tilespmem:s19], [sflag:s15] =	stream.indirect_vreg.gather [hbm4b:s17+s2], $0x80, v19, vm0, $0xb8;
	[tilespmem:$0x1E080] =	vst v63  }
0x255: {  	v56 =	vperm.xlane v17, v7;
	s19 =	sadd.s32 $0x15180, s14;
	v19 =	vadd.s32 v3, v55  }
0x256: {  	[tilespmem:s19], [sflag:s15] =	stream.indirect_vreg.gather [hbm4b:s17+s2], $0x80, v20, vm0, $0xb8;
	[tilespmem:$0x1E080] =	vst v63  }
0x257: {  	v58 =	vperm.xlane v17, v8;
	v57 =	vadd.s32 v3, v56;
	s19 =	sadd.s32 $0x15200, s14  }
0x258: {  	[tilespmem:s19], [sflag:s15] =	stream.indirect_vreg.gather [hbm4b:s17+s2], $0x80, v18, vm0, $0xb8;
	[tilespmem:$0x1E080] =	vst v63  }
0x259: {  	v59 =	vperm.xlane v17, v0;
	s19 =	sadd.s32 $0x15280, s14;
	v18 =	vadd.s32 v3, v58  }
0x25a: {  	[tilespmem:s19], [sflag:s15] =	stream.indirect_vreg.gather [hbm4b:s17+s2], $0x80, v19, vm0, $0xb8;
	[tilespmem:$0x1E080] =	vst v63  }
0x25b: {  	v60 =	vperm.xlane v17, v9;
	s19 =	sadd.s32 $0x15300, s14;
	v19 =	vadd.s32 v3, v59  }
0x25c: {  	[tilespmem:s19], [sflag:s15] =	stream.indirect_vreg.gather [hbm4b:s17+s2], $0x80, v57, vm0, $0xb8;
	[tilespmem:$0x1E080] =	vst v63  }
0x25d: {  	v62 =	vperm.xlane v17, v10;
	v61 =	vadd.s32 v3, v60;
	s19 =	sadd.s32 $0x15380, s14  }
0x25e: {  	[tilespmem:s19], [sflag:s15] =	stream.indirect_vreg.gather [hbm4b:s17+s2], $0x80, v18, vm0, $0xb8;
	[tilespmem:$0x1E080] =	vst v63  }
0x25f: {  	v63 =	vperm.xlane v17, v11;
	s19 =	sadd.s32 $0x15400, s14;
	v18 =	vadd.s32 v3, v62  }
0x260: {  	[tilespmem:s19], [sflag:s15] =	stream.indirect_vreg.gather [hbm4b:s17+s2], $0x80, v19, vm0, $0xb8;
	[tilespmem:$0x1E080] =	vst v63  }
0x261: {  	v24 =	vperm.xlane v17, v12;
	s19 =	sadd.s32 $0x15480, s14;
	v19 =	vadd.s32 v3, v63  }
0x262: {  	[tilespmem:s19], [sflag:s15] =	stream.indirect_vreg.gather [hbm4b:s17+s2], $0x80, v61, vm0, $0xb8;
	[tilespmem:$0x1E080] =	vst v63  }
0x263: {  	v26 =	vperm.xlane v17, v13;
	v25 =	vadd.s32 v3, v24;
	s19 =	sadd.s32 $0x15500, s14  }
0x264: {  	[tilespmem:s19], [sflag:s15] =	stream.indirect_vreg.gather [hbm4b:s17+s2], $0x80, v18, vm0, $0xb8;
	[tilespmem:$0x1E080] =	vst v63  }
0x265: {  	v27 =	vperm.xlane v17, v14;
	s19 =	sadd.s32 $0x15580, s14;
	v18 =	vadd.s32 v3, v26  }
0x266: {  	[tilespmem:s19], [sflag:s15] =	stream.indirect_vreg.gather [hbm4b:s17+s2], $0x80, v19, vm0, $0xb8;
	[tilespmem:$0x1E080] =	vst v63  }
0x267: {  	v28 =	vperm.xlane v17, v15;
	s19 =	sadd.s32 $0x15600, s14;
	v19 =	vadd.s32 v3, v27  }
0x268: {  	[tilespmem:s19], [sflag:s15] =	stream.indirect_vreg.gather [hbm4b:s17+s2], $0x80, v25, vm0, $0xb8;
	[tilespmem:$0x1E080] =	vst v63  }
0x269: {  	v17 =	vperm.xlane v17, v16;
	v29 =	vadd.s32 v3, v28;
	s19 =	sadd.s32 $0x15680, s14  }
0x26a: {  	[tilespmem:s19], [sflag:s15] =	stream.indirect_vreg.gather [hbm4b:s17+s2], $0x80, v18, vm0, $0xb8;
	[tilespmem:$0x1E080] =	vst v63  }
0x26b: {  	v17 =	vadd.s32 v3, v17;
	s19 =	sadd.s32 $0x15700, s14  }
0x26c: {  	[tilespmem:s19], [sflag:s15] =	stream.indirect_vreg.gather [hbm4b:s17+s2], $0x80, v19, vm0, $0xb8;
	[tilespmem:$0x1E080] =	vst v63  }
0x26d: {  	s19 =	sadd.s32 $0x15780, s14  }
0x26e: {  	[tilespmem:s19], [sflag:s15] =	stream.indirect_vreg.gather [hbm4b:s17+s2], $0x80, v29, vm0, $0xb8;
	[tilespmem:$0x1E080] =	vst v63  }
0x26f: {  	s19 =	sadd.s32 $0x15800, s14  }
0x270: {  	[tilespmem:s19], [sflag:s15] =	stream.indirect_vreg.gather [hbm4b:s17+s2], $0x80, v17, vm0, $0xb8;
	[tilespmem:$0x1E080] =	vst v63  }
0x271: {  	v17 =	vld [tilespmem:s16+$0x138B0];
	_ =	sdelay $0x4  }
0x272: {  	v18 =	vshll.u32 v17, $0x1  }
0x273: {  	v17 =	vand.u32 $0x7, v17;
	v18 =	vand.u32 $0xFFFFFFF0, v18  }
0x274: {  	v17 =	vor.u32 v17, v18  }
0x275: {  	v18 =	vperm.xlane v17, v2;
	_ =	sdelay $0x1  }
0x276: {  	v19 =	vperm.xlane v17, v1;
	v18 =	vadd.s32 v3, v18;
	_ =	sdelay $0x1  }
0x277: {  	v30 =	vperm.xlane v17, v4;
	v19 =	vadd.s32 v3, v19;
	_ =	sdelay $0x1  }
0x278: {  	s19 =	sadd.s32 $0x15880, s14;
	v31 =	vperm.xlane v17, v5;
	v20 =	vadd.s32 v3, v30  }
0x279: {  	[tilespmem:s19], [sflag:s15] =	stream.indirect_vreg.gather [hbm4b:s17+s2], $0x80, v18, vm0, $0xb8;
	[tilespmem:$0x1E080] =	vst v63  }
0x27a: {  	v32 =	vperm.xlane v17, v6;
	s19 =	sadd.s32 $0x15900, s14;
	v18 =	vadd.s32 v3, v31  }
0x27b: {  	[tilespmem:s19], [sflag:s15] =	stream.indirect_vreg.gather [hbm4b:s17+s2], $0x80, v19, vm0, $0xb8;
	[tilespmem:$0x1E080] =	vst v63  }
0x27c: {  	v33 =	vperm.xlane v17, v7;
	s19 =	sadd.s32 $0x15980, s14;
	v19 =	vadd.s32 v3, v32  }
0x27d: {  	[tilespmem:s19], [sflag:s15] =	stream.indirect_vreg.gather [hbm4b:s17+s2], $0x80, v20, vm0, $0xb8;
	[tilespmem:$0x1E080] =	vst v63  }
0x27e: {  	v35 =	vperm.xlane v17, v8;
	v34 =	vadd.s32 v3, v33;
	s19 =	sadd.s32 $0x15A00, s14  }
0x27f: {  	[tilespmem:s19], [sflag:s15] =	stream.indirect_vreg.gather [hbm4b:s17+s2], $0x80, v18, vm0, $0xb8;
	[tilespmem:$0x1E080] =	vst v63  }
0x280: {  	v36 =	vperm.xlane v17, v0;
	s19 =	sadd.s32 $0x15A80, s14;
	v18 =	vadd.s32 v3, v35  }
0x281: {  	[tilespmem:s19], [sflag:s15] =	stream.indirect_vreg.gather [hbm4b:s17+s2], $0x80, v19, vm0, $0xb8;
	[tilespmem:$0x1E080] =	vst v63  }
0x282: {  	v37 =	vperm.xlane v17, v9;
	s19 =	sadd.s32 $0x15B00, s14;
	v19 =	vadd.s32 v3, v36  }
0x283: {  	[tilespmem:s19], [sflag:s15] =	stream.indirect_vreg.gather [hbm4b:s17+s2], $0x80, v34, vm0, $0xb8;
	[tilespmem:$0x1E080] =	vst v63  }
0x284: {  	v39 =	vperm.xlane v17, v10;
	v38 =	vadd.s32 v3, v37;
	s19 =	sadd.s32 $0x15B80, s14  }
0x285: {  	[tilespmem:s19], [sflag:s15] =	stream.indirect_vreg.gather [hbm4b:s17+s2], $0x80, v18, vm0, $0xb8;
	[tilespmem:$0x1E080] =	vst v63  }
0x286: {  	v40 =	vperm.xlane v17, v11;
	s19 =	sadd.s32 $0x15C00, s14;
	v18 =	vadd.s32 v3, v39  }
0x287: {  	[tilespmem:s19], [sflag:s15] =	stream.indirect_vreg.gather [hbm4b:s17+s2], $0x80, v19, vm0, $0xb8;
	[tilespmem:$0x1E080] =	vst v63  }
0x288: {  	v41 =	vperm.xlane v17, v12;
	s19 =	sadd.s32 $0x15C80, s14;
	v19 =	vadd.s32 v3, v40  }
0x289: {  	[tilespmem:s19], [sflag:s15] =	stream.indirect_vreg.gather [hbm4b:s17+s2], $0x80, v38, vm0, $0xb8;
	[tilespmem:$0x1E080] =	vst v63  }
0x28a: {  	v43 =	vperm.xlane v17, v13;
	v42 =	vadd.s32 v3, v41;
	s19 =	sadd.s32 $0x15D00, s14  }
0x28b: {  	[tilespmem:s19], [sflag:s15] =	stream.indirect_vreg.gather [hbm4b:s17+s2], $0x80, v18, vm0, $0xb8;
	[tilespmem:$0x1E080] =	vst v63  }
0x28c: {  	v44 =	vperm.xlane v17, v14;
	s19 =	sadd.s32 $0x15D80, s14;
	v18 =	vadd.s32 v3, v43  }
0x28d: {  	[tilespmem:s19], [sflag:s15] =	stream.indirect_vreg.gather [hbm4b:s17+s2], $0x80, v19, vm0, $0xb8;
	[tilespmem:$0x1E080] =	vst v63  }
0x28e: {  	v45 =	vperm.xlane v17, v15;
	s19 =	sadd.s32 $0x15E00, s14;
	v19 =	vadd.s32 v3, v44  }
0x28f: {  	[tilespmem:s19], [sflag:s15] =	stream.indirect_vreg.gather [hbm4b:s17+s2], $0x80, v42, vm0, $0xb8;
	[tilespmem:$0x1E080] =	vst v63  }
0x290: {  	v17 =	vperm.xlane v17, v16;
	v46 =	vadd.s32 v3, v45;
	s19 =	sadd.s32 $0x15E80, s14  }
0x291: {  	[tilespmem:s19], [sflag:s15] =	stream.indirect_vreg.gather [hbm4b:s17+s2], $0x80, v18, vm0, $0xb8;
	[tilespmem:$0x1E080] =	vst v63  }
0x292: {  	v17 =	vadd.s32 v3, v17;
	s19 =	sadd.s32 $0x15F00, s14  }
0x293: {  	[tilespmem:s19], [sflag:s15] =	stream.indirect_vreg.gather [hbm4b:s17+s2], $0x80, v19, vm0, $0xb8;
	[tilespmem:$0x1E080] =	vst v63  }
0x294: {  	s19 =	sadd.s32 $0x15F80, s14  }
0x295: {  	[tilespmem:s19], [sflag:s15] =	stream.indirect_vreg.gather [hbm4b:s17+s2], $0x80, v46, vm0, $0xb8;
	[tilespmem:$0x1E080] =	vst v63  }
0x296: {  	s19 =	sadd.s32 $0x16000, s14  }
0x297: {  	[tilespmem:s19], [sflag:s15] =	stream.indirect_vreg.gather [hbm4b:s17+s2], $0x80, v17, vm0, $0xb8;
	[tilespmem:$0x1E080] =	vst v63  }
0x298: {  	v17 =	vld [tilespmem:s16+$0x138C0];
	_ =	sdelay $0x4  }
0x299: {  	v18 =	vshll.u32 v17, $0x1  }
0x29a: {  	v17 =	vand.u32 $0x7, v17;
	v18 =	vand.u32 $0xFFFFFFF0, v18  }
0x29b: {  	v17 =	vor.u32 v17, v18  }
0x29c: {  	v18 =	vperm.xlane v17, v2;
	_ =	sdelay $0x1  }
0x29d: {  	v19 =	vperm.xlane v17, v1;
	v18 =	vadd.s32 v3, v18;
	_ =	sdelay $0x1  }
0x29e: {  	v47 =	vperm.xlane v17, v4;
	v19 =	vadd.s32 v3, v19;
	_ =	sdelay $0x1  }
0x29f: {  	s19 =	sadd.s32 $0x16080, s14;
	v48 =	vperm.xlane v17, v5;
	v20 =	vadd.s32 v3, v47  }
0x2a0: {  	[tilespmem:s19], [sflag:s15] =	stream.indirect_vreg.gather [hbm4b:s17+s2], $0x80, v18, vm0, $0xb8;
	[tilespmem:$0x1E080] =	vst v63  }
0x2a1: {  	v49 =	vperm.xlane v17, v6;
	s19 =	sadd.s32 $0x16100, s14;
	v18 =	vadd.s32 v3, v48  }
0x2a2: {  	[tilespmem:s19], [sflag:s15] =	stream.indirect_vreg.gather [hbm4b:s17+s2], $0x80, v19, vm0, $0xb8;
	[tilespmem:$0x1E080] =	vst v63  }
0x2a3: {  	v50 =	vperm.xlane v17, v7;
	s19 =	sadd.s32 $0x16180, s14;
	v19 =	vadd.s32 v3, v49  }
0x2a4: {  	[tilespmem:s19], [sflag:s15] =	stream.indirect_vreg.gather [hbm4b:s17+s2], $0x80, v20, vm0, $0xb8;
	[tilespmem:$0x1E080] =	vst v63  }
0x2a5: {  	v52 =	vperm.xlane v17, v8;
	v51 =	vadd.s32 v3, v50;
	s19 =	sadd.s32 $0x16200, s14  }
0x2a6: {  	[tilespmem:s19], [sflag:s15] =	stream.indirect_vreg.gather [hbm4b:s17+s2], $0x80, v18, vm0, $0xb8;
	[tilespmem:$0x1E080] =	vst v63  }
0x2a7: {  	v53 =	vperm.xlane v17, v0;
	s19 =	sadd.s32 $0x16280, s14;
	v18 =	vadd.s32 v3, v52  }
0x2a8: {  	[tilespmem:s19], [sflag:s15] =	stream.indirect_vreg.gather [hbm4b:s17+s2], $0x80, v19, vm0, $0xb8;
	[tilespmem:$0x1E080] =	vst v63  }
0x2a9: {  	v54 =	vperm.xlane v17, v9;
	s19 =	sadd.s32 $0x16300, s14;
	v19 =	vadd.s32 v3, v53  }
0x2aa: {  	[tilespmem:s19], [sflag:s15] =	stream.indirect_vreg.gather [hbm4b:s17+s2], $0x80, v51, vm0, $0xb8;
	[tilespmem:$0x1E080] =	vst v63  }
0x2ab: {  	v56 =	vperm.xlane v17, v10;
	v55 =	vadd.s32 v3, v54;
	s19 =	sadd.s32 $0x16380, s14  }
0x2ac: {  	[tilespmem:s19], [sflag:s15] =	stream.indirect_vreg.gather [hbm4b:s17+s2], $0x80, v18, vm0, $0xb8;
	[tilespmem:$0x1E080] =	vst v63  }
0x2ad: {  	v57 =	vperm.xlane v17, v11;
	s19 =	sadd.s32 $0x16400, s14;
	v18 =	vadd.s32 v3, v56  }
0x2ae: {  	[tilespmem:s19], [sflag:s15] =	stream.indirect_vreg.gather [hbm4b:s17+s2], $0x80, v19, vm0, $0xb8;
	[tilespmem:$0x1E080] =	vst v63  }
0x2af: {  	v58 =	vperm.xlane v17, v12;
	s19 =	sadd.s32 $0x16480, s14;
	v19 =	vadd.s32 v3, v57  }
0x2b0: {  	[tilespmem:s19], [sflag:s15] =	stream.indirect_vreg.gather [hbm4b:s17+s2], $0x80, v55, vm0, $0xb8;
	[tilespmem:$0x1E080] =	vst v63  }
0x2b1: {  	v60 =	vperm.xlane v17, v13;
	v59 =	vadd.s32 v3, v58;
	s19 =	sadd.s32 $0x16500, s14  }
0x2b2: {  	[tilespmem:s19], [sflag:s15] =	stream.indirect_vreg.gather [hbm4b:s17+s2], $0x80, v18, vm0, $0xb8;
	[tilespmem:$0x1E080] =	vst v63  }
0x2b3: {  	v61 =	vperm.xlane v17, v14;
	s19 =	sadd.s32 $0x16580, s14;
	v18 =	vadd.s32 v3, v60  }
0x2b4: {  	[tilespmem:s19], [sflag:s15] =	stream.indirect_vreg.gather [hbm4b:s17+s2], $0x80, v19, vm0, $0xb8;
	[tilespmem:$0x1E080] =	vst v63  }
0x2b5: {  	v62 =	vperm.xlane v17, v15;
	s19 =	sadd.s32 $0x16600, s14;
	v19 =	vadd.s32 v3, v61  }
0x2b6: {  	[tilespmem:s19], [sflag:s15] =	stream.indirect_vreg.gather [hbm4b:s17+s2], $0x80, v59, vm0, $0xb8;
	[tilespmem:$0x1E080] =	vst v63  }
0x2b7: {  	v17 =	vperm.xlane v17, v16;
	v63 =	vadd.s32 v3, v62;
	s19 =	sadd.s32 $0x16680, s14  }
0x2b8: {  	[tilespmem:s19], [sflag:s15] =	stream.indirect_vreg.gather [hbm4b:s17+s2], $0x80, v18, vm0, $0xb8;
	[tilespmem:$0x1E080] =	vst v63  }
0x2b9: {  	v17 =	vadd.s32 v3, v17;
	s19 =	sadd.s32 $0x16700, s14  }
0x2ba: {  	[tilespmem:s19], [sflag:s15] =	stream.indirect_vreg.gather [hbm4b:s17+s2], $0x80, v19, vm0, $0xb8;
	[tilespmem:$0x1E080] =	vst v63  }
0x2bb: {  	s19 =	sadd.s32 $0x16780, s14  }
0x2bc: {  	[tilespmem:s19], [sflag:s15] =	stream.indirect_vreg.gather [hbm4b:s17+s2], $0x80, v63, vm0, $0xb8;
	[tilespmem:$0x1E080] =	vst v63  }
0x2bd: {  	s14 =	sadd.s32 $0x16800, s14  }
0x2be: {  	[tilespmem:s14], [sflag:s15] =	stream.indirect_vreg.gather [hbm4b:s17+s2], $0x80, v17, vm0, $0xb8;
	[tilespmem:$0x1E080] =	vst v63  }
.LBB2_6:
0x2bf: {  	s13 =	sadd.s32 $0x1, s13  }
0x2c0: {  	p1 =	sne.s32 s13, $0x7D  }
.Ltmp3:
0x2c1: {  	_ = 	snop;
	(pc) =	sbr.rel @!p1 .LBB2_7-.Ltmp3, $2  }
0x2c2: {  	_ =	sdelay $0x2  }
0x2c3: {  	s23 =	sadd.s32 $0xA, s23;
	s11 =	sadd.s32 $0x200, s11  }
.LBB2_2:
0x2c4: {  	s14 =	sand.u32 $0x3, s13  }
0x2c5: {  	s19 =	sand.u32 $0xE00, s11;
	s15 =	smul.u32 $0xA000, s14  }
0x2c6: {  	p1 =	slt.u32 s13, $0x2;
	s16 =	sadd.s32 $0x1, s14;
	s19 =	sshrl.u32 s19, $0x2  }
0x2c7: {  	p2 =	sgt.u32 @!p1 s13, $0x76;
	_ =	swait.ge [sflag:s16], $0x2800;
	s15 =	sshrl.u32 s15, $0x2  }
0x2c8: {  	p2 =	por p1, !p2;
	[sflag:s16] =	ssyncset.done $0x0;
	s15 =	sadd.s32 $0x14080, s15  }
0x2c9: {  	[sflag:s16] =	ssyncadd.s32 $0xFFFFD800;
	s16 =	sadd.s32 $0x13C80, s19;
	s19 =	sadd.s32 $0x5, s14  }
0x2ca: {  	[spmem:s1] =	stream.indirect.scatter.add.f32 [tilespmem:s15], [sflag:s19], $0x80, s16, s3, $0xb8;
	[tilespmem:$0x1E080] =	vst v63  }
.Ltmp4:
0x2cb: {  	s14 =	sxor.u32 @!p1 $0x2, s14;
	(pc) =	sbr.rel @p2 .LBB2_3-.Ltmp4, $4  }
0x2cc: {  	s14 =	sadd.s32 @!p1 $0x5, s14  }
0x2cd: {  	_ =	swait.ge @!p1 [sflag:s14], $0x2800  }
0x2ce: {  	[sflag:s14] =	ssyncset.done @!p1 $0x0  }
0x2cf: {  	[sflag:s14] =	ssyncadd.s32 @!p1 $0xFFFFD800  }
0x2d0: {  	p1 =	sgt.u32 s13, $0x7A  }
.Ltmp5:
0x2d1: {  	_ = 	snop;
	(pc) =	sbr.rel @p1 .LBB2_6-.Ltmp5, $4  }
.Ltmp6:
0x2d2: {  	_ = 	snop;
	(pc) =	sbr.rel @!p1 .LBB2_5-.Ltmp6, $4  }
0x2d3: {  	_ = 	snop  }
0x2d4: {  	_ = 	snop  }
0x2d5: {  	_ = 	snop  }
0x2d6: {  	_ = 	snop  }
.LBB2_8:
0x2d7: {  	_ =	sfence.sel $0x180000  }
0x2d8: {  	[bflag:$0x0] =	sbarrier.arrive $0xFFFF  }
0x2d9: {  	_ =	strace $0x90000047  }
0x2da: {  	[bflag:$0x2] =	sbarrier.arrive $0xFFFF  }
0x2db: {  	s0 =	rddreg [dreg:$0x4]  }
0x2dc: {  	s0 =	sadd.s32 @!p0 $0x100000, s0  }
0x2dd: {  	[sflag:s0] =	ssyncadd.tile.s32 @!p0 $0x1;
	_ =	shalt  }
.Lfunc_end2:
_tile_overlayer_lowered:
.L_overlay_start_2:
0x2de: {  	(tag) =	ssettag $0x2  }
0x2df: {  	s0 =	rddreg [dreg:$0x0];
	s2 =	stileid.u32  }
0x2e0: {  	s1 =	rddreg [dreg:$0x1];
	p0 =	sne.s32 s2, $0x0  }
0x2e1: {  	s3 =	rddreg [dreg:$0x2];
	[bflag:$0x3] =	sbarrier.arrive $0xFFFF;
	s2 =	simm.s32 @!p0 $0x1C19  }
0x2e2: {  	[timem:s3], [sflag:s2] =	dma.local @!p0 [hbm:s0], s1  }
0x2e3: {  	s0 =	simm.s32 @!p0 $0x19  }
0x2e4: {  	_ =	swait.ge @!p0 [sflag:s0], s1  }
0x2e5: {  	s1 =	ssub.s32 @!p0 $0x0, s1;
	[sflag:s0] =	ssyncset.done @!p0 $0x0  }
0x2e6: {  	[sflag:s0] =	ssyncadd.s32 @!p0 s1  }
0x2e7: {  	[bflag:$0x3] =	sbarrier.arrive $0xFFFF  }
0x2e8: {  	_ =	shalt  }

</sc_bundles>
